<compile_context>
chip_gen: v7x
topology: tpu7x:2x2x1
jax: 0.10.2.dev20260603
libtpu: 0.0.44.dev20260713+nightly
codegen_flags: <defaults>
</compile_context>

<pallas_src>
import functools

import jax
import jax.numpy as jnp
from jax import lax
from jax.experimental import pallas as pl
from jax.experimental.pallas import tpu as pltpu
from jax.experimental.pallas import tpu_sc as plsc

D_MODEL = 64
NUM_CORES = 2
NUM_SUBCORES = 16
NW = NUM_CORES * NUM_SUBCORES


def _make_embed(n_rows: int, seq: int):
    rows_per_w = n_rows // NW
    NBUF = 4
    PF = 3
    n_chunks = rows_per_w

    mesh = plsc.VectorSubcoreMesh(core_axis_name="c", subcore_axis_name="s")

    @functools.partial(
        pl.kernel,
        mesh=mesh,
        out_type=jax.ShapeDtypeStruct((n_rows * seq, D_MODEL), jnp.float32),
        compiler_params=pltpu.CompilerParams(use_tc_tiling_on_sc=False),
        scratch_types=[
            pltpu.VMEM((rows_per_w, seq), jnp.int32),
            pltpu.VMEM((NBUF, seq, D_MODEL), jnp.float32),
        ]
        + [pltpu.SemaphoreType.DMA] * (2 * NBUF),
    )
    def embed(tokens_hbm, table_hbm, out_hbm, idx_v, rows_v, *sems):
        gsem = sems[:NBUF]
        osem = sems[NBUF:]
        wid = lax.axis_index("s") * NUM_CORES + lax.axis_index("c")
        base = wid * rows_per_w
        pltpu.sync_copy(tokens_hbm.at[pl.ds(base, rows_per_w)], idx_v)

        def gather(j):
            b = j % NBUF
            pltpu.async_copy(table_hbm.at[idx_v.at[j]], rows_v.at[b], gsem[b])

        def wait_gather(j, b):
            pltpu.make_async_copy(
                table_hbm.at[idx_v.at[j]], rows_v.at[b], gsem[b]
            ).wait()

        def out_start(j, b):
            pltpu.async_copy(
                rows_v.at[b], out_hbm.at[pl.ds((base + j) * seq, seq)], osem[b]
            )

        def wait_out(j, b):
            pltpu.make_async_copy(
                rows_v.at[b], out_hbm.at[pl.ds((base + j) * seq, seq)], osem[b]
            ).wait()

        for j in range(PF):
            gather(j)

        head = NBUF - PF
        for i in range(head):
            gather(i + PF)
            wait_gather(i, i % NBUF)
            out_start(i, i % NBUF)

        n_main = n_chunks - PF - head

        def group(g, carry):
            for b in range(NBUF):
                i = head + g * NBUF + b
                bi = (head + b) % NBUF
                bpf = (head + b + PF) % NBUF
                wait_out(i - head, bpf)
                pltpu.async_copy(
                    table_hbm.at[idx_v.at[i + PF]], rows_v.at[bpf], gsem[bpf]
                )
                wait_gather(i, bi)
                out_start(i, bi)
            return carry

        lax.fori_loop(0, n_main // NBUF, group, 0)

        for i in range(n_chunks - PF, n_chunks):
            wait_gather(i, i % NBUF)
            out_start(i, i % NBUF)

        for j in range(n_chunks - NBUF, n_chunks):
            wait_out(j, j % NBUF)

    return embed


def kernel(tokens, W_E):
    n_rows, seq = tokens.shape
    flat = _make_embed(n_rows, seq)(tokens.astype(jnp.int32), W_E)
    return flat.reshape(n_rows, seq, D_MODEL)

# --- scband reference (transcript-rebuilt; emitter-appended) ---
"""Pipeline reference for scband-embed-20031727469022 (READ-ONLY COPY).

The authoritative reference and input builder live on the scoring server;
editing this copy changes nothing except your own understanding.
"""

import jax, jax.numpy as jnp
import numpy as np

D_VOCAB = 1000000
D_MODEL = 64
INIT_RANGE = 0.02

def setup_inputs(seed: int = 0) -> dict:
    key = jax.random.key(seed)
    k_tok, k_w = jax.random.split(key)
    tokens = jax.random.randint(k_tok, (4096, 200), 0, D_VOCAB, dtype=jnp.int64 if jax.config.read('jax_enable_x64') else jnp.int32)
    W_E = jax.random.normal(k_w, (D_VOCAB, D_MODEL), dtype=jnp.float32) * INIT_RANGE
    return {"tokens": tokens, "W_E": W_E}

def reference(tokens, W_E):
    # tf.nn.embedding_lookup(W_E, tokens) == gather rows of W_E
    embed = jnp.take(W_E, tokens, axis=0)
    return embed

if __name__ == "__main__":
    import jax
    _d = setup_inputs()
    print(jax.jit(kernel)(*tuple(_d.values())))

</pallas_src>

<mosaic_0001>
#map = affine_map<(d0, d1) -> (0, 0)>
module attributes {stable_mosaic.version = 14 : i64} {
  func.func @embed(%arg0: i32, %arg1: i32, %arg2: memref<4096x200xi32, #tpu.memory_space<hbm>>, %arg3: memref<1000000x64xf32, #tpu.memory_space<hbm>>, %arg4: memref<819200x64xf32, #tpu.memory_space<hbm>>, %arg5: memref<128x200xi32, #tpu.memory_space<vmem>>, %arg6: memref<4x200x64xf32, #tpu.memory_space<vmem>>, %arg7: memref<!tpu.dma_semaphore, #tpu.memory_space<semaphore_mem>>, %arg8: memref<!tpu.dma_semaphore, #tpu.memory_space<semaphore_mem>>, %arg9: memref<!tpu.dma_semaphore, #tpu.memory_space<semaphore_mem>>, %arg10: memref<!tpu.dma_semaphore, #tpu.memory_space<semaphore_mem>>, %arg11: memref<!tpu.dma_semaphore, #tpu.memory_space<semaphore_mem>>, %arg12: memref<!tpu.dma_semaphore, #tpu.memory_space<semaphore_mem>>, %arg13: memref<!tpu.dma_semaphore, #tpu.memory_space<semaphore_mem>>, %arg14: memref<!tpu.dma_semaphore, #tpu.memory_space<semaphore_mem>>) attributes {dimension_semantics = [#tpu.dimension_semantics<core_parallel>, #tpu.dimension_semantics<subcore_parallel>], iteration_bounds = array<i64: 2, 16>, scalar_prefetch = 0 : i64, scratch_operands = 10 : i64, tpu.core_type = #tpu.core_type<sc_vector_subcore>, window_params = [{transform_indices = #map}, {transform_indices = #map}, {transform_indices = #map}]} {
    %mul3A = arith.constant 2 : i32
    %mul3A_0 = arith.muli %arg1, %mul3A : i32
    %add3A = arith.addi %mul3A_0, %arg0 : i32
    %mul3A_1 = arith.constant 128 : i32
    %mul3A_2 = arith.muli %add3A, %mul3A_1 : i32
    "tpu.region"() ({
      %run_scoped3A = tpu.sem_alloc : memref<!tpu.dma_semaphore, #tpu.memory_space<semaphore_mem>>
      %dma_start3A_238 = arith.constant 0 : i32
      %dma_start3A_239 = tpu.memref_slice %arg2[%mul3A_2, %dma_start3A_238] : memref<4096x200xi32, #tpu.memory_space<hbm>> -> memref<128x200xi32, #tpu.memory_space<hbm>>
      %dma_start3A_240 = arith.constant 0 : i32
      %dma_start3A_241 = tpu.memref_slice %arg2[%mul3A_2, %dma_start3A_240] : memref<4096x200xi32, #tpu.memory_space<hbm>> -> memref<128x200xi32, #tpu.memory_space<hbm>>
      tpu.enqueue_dma source(%dma_start3A_241 : memref<128x200xi32, #tpu.memory_space<hbm>>) target(%arg5 : memref<128x200xi32, #tpu.memory_space<vmem>>) target_semaphore(%run_scoped3A : memref<!tpu.dma_semaphore, #tpu.memory_space<semaphore_mem>>)
      %dma_wait3A_242 = arith.constant 0 : i32
      %dma_wait3A_243 = tpu.memref_slice %arg2[%mul3A_2, %dma_wait3A_242] : memref<4096x200xi32, #tpu.memory_space<hbm>> -> memref<128x200xi32, #tpu.memory_space<hbm>>
      %dma_wait3A_244 = arith.constant 0 : i32
      %dma_wait3A_245 = tpu.memref_slice %arg2[%mul3A_2, %dma_wait3A_244] : memref<4096x200xi32, #tpu.memory_space<hbm>> -> memref<128x200xi32, #tpu.memory_space<hbm>>
      tpu.wait_dma2 semaphore(%run_scoped3A : memref<!tpu.dma_semaphore, #tpu.memory_space<semaphore_mem>>) src(%dma_wait3A_245 : memref<128x200xi32, #tpu.memory_space<hbm>>) dst(%arg5 : memref<128x200xi32, #tpu.memory_space<vmem>>)
      tpu.yield
    }) : () -> ()
    %dma_start3A = arith.constant 0 : i32
    %dma_start3A_3 = arith.constant 0 : i32
    %dma_start3A_4 = arith.constant 0 : i32
    %dma_start3A_5 = arith.constant 0 : i32
    %dma_start3A_6 = tpu.memref_slice %arg6[%dma_start3A_3, %dma_start3A_4, %dma_start3A_5] : memref<4x200x64xf32, #tpu.memory_space<vmem>> -> memref<1x200x64xf32, #tpu.memory_space<vmem>>
    %dma_start3A_7 = tpu.memref_squeeze %dma_start3A_6 : memref<1x200x64xf32, #tpu.memory_space<vmem>> -> memref<200x64xf32, #tpu.memory_space<vmem>>
    %dma_start3A_8 = arith.constant 0 : i32
    %dma_start3A_9 = tpu.memref_slice %arg5[%dma_start3A, %dma_start3A_8] : memref<128x200xi32, #tpu.memory_space<vmem>> -> memref<1x200xi32, #tpu.memory_space<vmem>>
    %dma_start3A_10 = tpu.memref_squeeze %dma_start3A_9 : memref<1x200xi32, #tpu.memory_space<vmem>> -> memref<200xi32, #tpu.memory_space<vmem>>
    %dma_start3A_11 = arith.constant 0 : i32
    %dma_start3A_12 = arith.constant 0 : i32
    %dma_start3A_13 = tpu.memref_slice %arg3[%dma_start3A_11, %dma_start3A_12] : memref<1000000x64xf32, #tpu.memory_space<hbm>> -> memref<1000000x64xf32, #tpu.memory_space<hbm>>
    tpu.enqueue_indirect_dma source(%dma_start3A_13 : memref<1000000x64xf32, #tpu.memory_space<hbm>>) target(%dma_start3A_7 : memref<200x64xf32, #tpu.memory_space<vmem>>) offsets(%dma_start3A_10 : memref<200xi32, #tpu.memory_space<vmem>>) semaphore(%arg7 : memref<!tpu.dma_semaphore, #tpu.memory_space<semaphore_mem>>)
    %dma_start3A_14 = arith.constant 1 : i32
    %dma_start3A_15 = arith.constant 1 : i32
    %dma_start3A_16 = arith.constant 0 : i32
    %dma_start3A_17 = arith.constant 0 : i32
    %dma_start3A_18 = tpu.memref_slice %arg6[%dma_start3A_15, %dma_start3A_16, %dma_start3A_17] : memref<4x200x64xf32, #tpu.memory_space<vmem>> -> memref<1x200x64xf32, #tpu.memory_space<vmem>>
    %dma_start3A_19 = tpu.memref_squeeze %dma_start3A_18 : memref<1x200x64xf32, #tpu.memory_space<vmem>> -> memref<200x64xf32, #tpu.memory_space<vmem>>
    %dma_start3A_20 = arith.constant 0 : i32
    %dma_start3A_21 = tpu.memref_slice %arg5[%dma_start3A_14, %dma_start3A_20] : memref<128x200xi32, #tpu.memory_space<vmem>> -> memref<1x200xi32, #tpu.memory_space<vmem>>
    %dma_start3A_22 = tpu.memref_squeeze %dma_start3A_21 : memref<1x200xi32, #tpu.memory_space<vmem>> -> memref<200xi32, #tpu.memory_space<vmem>>
    %dma_start3A_23 = arith.constant 0 : i32
    %dma_start3A_24 = arith.constant 0 : i32
    %dma_start3A_25 = tpu.memref_slice %arg3[%dma_start3A_23, %dma_start3A_24] : memref<1000000x64xf32, #tpu.memory_space<hbm>> -> memref<1000000x64xf32, #tpu.memory_space<hbm>>
    tpu.enqueue_indirect_dma source(%dma_start3A_25 : memref<1000000x64xf32, #tpu.memory_space<hbm>>) target(%dma_start3A_19 : memref<200x64xf32, #tpu.memory_space<vmem>>) offsets(%dma_start3A_22 : memref<200xi32, #tpu.memory_space<vmem>>) semaphore(%arg8 : memref<!tpu.dma_semaphore, #tpu.memory_space<semaphore_mem>>)
    %dma_start3A_26 = arith.constant 2 : i32
    %dma_start3A_27 = arith.constant 2 : i32
    %dma_start3A_28 = arith.constant 0 : i32
    %dma_start3A_29 = arith.constant 0 : i32
    %dma_start3A_30 = tpu.memref_slice %arg6[%dma_start3A_27, %dma_start3A_28, %dma_start3A_29] : memref<4x200x64xf32, #tpu.memory_space<vmem>> -> memref<1x200x64xf32, #tpu.memory_space<vmem>>
    %dma_start3A_31 = tpu.memref_squeeze %dma_start3A_30 : memref<1x200x64xf32, #tpu.memory_space<vmem>> -> memref<200x64xf32, #tpu.memory_space<vmem>>
    %dma_start3A_32 = arith.constant 0 : i32
    %dma_start3A_33 = tpu.memref_slice %arg5[%dma_start3A_26, %dma_start3A_32] : memref<128x200xi32, #tpu.memory_space<vmem>> -> memref<1x200xi32, #tpu.memory_space<vmem>>
    %dma_start3A_34 = tpu.memref_squeeze %dma_start3A_33 : memref<1x200xi32, #tpu.memory_space<vmem>> -> memref<200xi32, #tpu.memory_space<vmem>>
    %dma_start3A_35 = arith.constant 0 : i32
    %dma_start3A_36 = arith.constant 0 : i32
    %dma_start3A_37 = tpu.memref_slice %arg3[%dma_start3A_35, %dma_start3A_36] : memref<1000000x64xf32, #tpu.memory_space<hbm>> -> memref<1000000x64xf32, #tpu.memory_space<hbm>>
    tpu.enqueue_indirect_dma source(%dma_start3A_37 : memref<1000000x64xf32, #tpu.memory_space<hbm>>) target(%dma_start3A_31 : memref<200x64xf32, #tpu.memory_space<vmem>>) offsets(%dma_start3A_34 : memref<200xi32, #tpu.memory_space<vmem>>) semaphore(%arg9 : memref<!tpu.dma_semaphore, #tpu.memory_space<semaphore_mem>>)
    %dma_start3A_38 = arith.constant 3 : i32
    %dma_start3A_39 = arith.constant 3 : i32
    %dma_start3A_40 = arith.constant 0 : i32
    %dma_start3A_41 = arith.constant 0 : i32
    %dma_start3A_42 = tpu.memref_slice %arg6[%dma_start3A_39, %dma_start3A_40, %dma_start3A_41] : memref<4x200x64xf32, #tpu.memory_space<vmem>> -> memref<1x200x64xf32, #tpu.memory_space<vmem>>
    %dma_start3A_43 = tpu.memref_squeeze %dma_start3A_42 : memref<1x200x64xf32, #tpu.memory_space<vmem>> -> memref<200x64xf32, #tpu.memory_space<vmem>>
    %dma_start3A_44 = arith.constant 0 : i32
    %dma_start3A_45 = tpu.memref_slice %arg5[%dma_start3A_38, %dma_start3A_44] : memref<128x200xi32, #tpu.memory_space<vmem>> -> memref<1x200xi32, #tpu.memory_space<vmem>>
    %dma_start3A_46 = tpu.memref_squeeze %dma_start3A_45 : memref<1x200xi32, #tpu.memory_space<vmem>> -> memref<200xi32, #tpu.memory_space<vmem>>
    %dma_start3A_47 = arith.constant 0 : i32
    %dma_start3A_48 = arith.constant 0 : i32
    %dma_start3A_49 = tpu.memref_slice %arg3[%dma_start3A_47, %dma_start3A_48] : memref<1000000x64xf32, #tpu.memory_space<hbm>> -> memref<1000000x64xf32, #tpu.memory_space<hbm>>
    tpu.enqueue_indirect_dma source(%dma_start3A_49 : memref<1000000x64xf32, #tpu.memory_space<hbm>>) target(%dma_start3A_43 : memref<200x64xf32, #tpu.memory_space<vmem>>) offsets(%dma_start3A_46 : memref<200xi32, #tpu.memory_space<vmem>>) semaphore(%arg10 : memref<!tpu.dma_semaphore, #tpu.memory_space<semaphore_mem>>)
    %dma_wait3A = arith.constant 0 : i32
    %dma_wait3A_50 = arith.constant 0 : i32
    %dma_wait3A_51 = arith.constant 0 : i32
    %dma_wait3A_52 = arith.constant 0 : i32
    %dma_wait3A_53 = tpu.memref_slice %arg6[%dma_wait3A_50, %dma_wait3A_51, %dma_wait3A_52] : memref<4x200x64xf32, #tpu.memory_space<vmem>> -> memref<1x200x64xf32, #tpu.memory_space<vmem>>
    %dma_wait3A_54 = tpu.memref_squeeze %dma_wait3A_53 : memref<1x200x64xf32, #tpu.memory_space<vmem>> -> memref<200x64xf32, #tpu.memory_space<vmem>>
    %dma_wait3A_55 = arith.constant 0 : i32
    %dma_wait3A_56 = tpu.memref_slice %arg5[%dma_wait3A, %dma_wait3A_55] : memref<128x200xi32, #tpu.memory_space<vmem>> -> memref<1x200xi32, #tpu.memory_space<vmem>>
    %dma_wait3A_57 = tpu.memref_squeeze %dma_wait3A_56 : memref<1x200xi32, #tpu.memory_space<vmem>> -> memref<200xi32, #tpu.memory_space<vmem>>
    %dma_wait3A_58 = arith.constant 0 : i32
    %dma_wait3A_59 = arith.constant 0 : i32
    %dma_wait3A_60 = tpu.memref_slice %arg3[%dma_wait3A_58, %dma_wait3A_59] : memref<1000000x64xf32, #tpu.memory_space<hbm>> -> memref<1000000x64xf32, #tpu.memory_space<hbm>>
    tpu.wait_indirect_dma semaphore(%arg7 : memref<!tpu.dma_semaphore, #tpu.memory_space<semaphore_mem>>) src(%dma_wait3A_60 : memref<1000000x64xf32, #tpu.memory_space<hbm>>) dst(%dma_wait3A_54 : memref<200x64xf32, #tpu.memory_space<vmem>>)
    %add3A_61 = arith.constant 0 : i32
    %add3A_62 = arith.addi %mul3A_2, %add3A_61 : i32
    %mul3A_63 = arith.constant 200 : i32
    %mul3A_64 = arith.muli %add3A_62, %mul3A_63 : i32
    %dma_start3A_65 = arith.constant 0 : i32
    %dma_start3A_66 = arith.constant 0 : i32
    %dma_start3A_67 = arith.constant 0 : i32
    %dma_start3A_68 = tpu.memref_slice %arg6[%dma_start3A_65, %dma_start3A_66, %dma_start3A_67] : memref<4x200x64xf32, #tpu.memory_space<vmem>> -> memref<1x200x64xf32, #tpu.memory_space<vmem>>
    %dma_start3A_69 = tpu.memref_squeeze %dma_start3A_68 : memref<1x200x64xf32, #tpu.memory_space<vmem>> -> memref<200x64xf32, #tpu.memory_space<vmem>>
    %dma_start3A_70 = arith.constant 0 : i32
    %dma_start3A_71 = tpu.memref_slice %arg4[%mul3A_64, %dma_start3A_70] : memref<819200x64xf32, #tpu.memory_space<hbm>> -> memref<200x64xf32, #tpu.memory_space<hbm>>
    %dma_start3A_72 = arith.constant 0 : i32
    %dma_start3A_73 = tpu.memref_slice %arg4[%mul3A_64, %dma_start3A_72] : memref<819200x64xf32, #tpu.memory_space<hbm>> -> memref<200x64xf32, #tpu.memory_space<hbm>>
    %dma_start3A_74 = arith.constant 0 : i32
    %dma_start3A_75 = arith.constant 0 : i32
    %dma_start3A_76 = tpu.memref_slice %arg6[%dma_start3A_65, %dma_start3A_74, %dma_start3A_75] : memref<4x200x64xf32, #tpu.memory_space<vmem>> -> memref<1x200x64xf32, #tpu.memory_space<vmem>>
    %dma_start3A_77 = tpu.memref_squeeze %dma_start3A_76 : memref<1x200x64xf32, #tpu.memory_space<vmem>> -> memref<200x64xf32, #tpu.memory_space<vmem>>
    tpu.enqueue_dma source(%dma_start3A_77 : memref<200x64xf32, #tpu.memory_space<vmem>>) target(%dma_start3A_73 : memref<200x64xf32, #tpu.memory_space<hbm>>) target_semaphore(%arg11 : memref<!tpu.dma_semaphore, #tpu.memory_space<semaphore_mem>>)
    %scan3A = arith.constant 0 : i32
    %scan3A_78 = arith.constant 0 : i32
    %scan3A_79 = arith.constant 31 : i32
    %scan3A_80 = arith.addi %scan3A_78, %scan3A_79 : i32
    %scan3A_81 = arith.constant 1 : i32
    scf.for %scan3A_238 = %scan3A_78 to %scan3A_80 step %scan3A_81  : i32 {
      %mul3A_239 = arith.constant 4 : i32
      %mul3A_240 = arith.muli %scan3A_238, %mul3A_239 : i32
      %add3A_241 = arith.constant 1 : i32
      %add3A_242 = arith.addi %add3A_241, %mul3A_240 : i32
      %add3A_243 = arith.constant 0 : i32
      %add3A_244 = arith.addi %add3A_242, %add3A_243 : i32
      %sub3A = arith.constant 1 : i32
      %sub3A_245 = arith.subi %add3A_244, %sub3A : i32
      %add3A_246 = arith.addi %mul3A_2, %sub3A_245 : i32
      %mul3A_247 = arith.constant 200 : i32
      %mul3A_248 = arith.muli %add3A_246, %mul3A_247 : i32
      %dma_wait3A_249 = arith.constant 0 : i32
      %dma_wait3A_250 = arith.constant 0 : i32
      %dma_wait3A_251 = arith.constant 0 : i32
      %dma_wait3A_252 = tpu.memref_slice %arg6[%dma_wait3A_249, %dma_wait3A_250, %dma_wait3A_251] : memref<4x200x64xf32, #tpu.memory_space<vmem>> -> memref<1x200x64xf32, #tpu.memory_space<vmem>>
      %dma_wait3A_253 = tpu.memref_squeeze %dma_wait3A_252 : memref<1x200x64xf32, #tpu.memory_space<vmem>> -> memref<200x64xf32, #tpu.memory_space<vmem>>
      %dma_wait3A_254 = arith.constant 0 : i32
      %dma_wait3A_255 = tpu.memref_slice %arg4[%mul3A_248, %dma_wait3A_254] : memref<819200x64xf32, #tpu.memory_space<hbm>> -> memref<200x64xf32, #tpu.memory_space<hbm>>
      %dma_wait3A_256 = arith.constant 0 : i32
      %dma_wait3A_257 = tpu.memref_slice %arg4[%mul3A_248, %dma_wait3A_256] : memref<819200x64xf32, #tpu.memory_space<hbm>> -> memref<200x64xf32, #tpu.memory_space<hbm>>
      %dma_wait3A_258 = arith.constant 0 : i32
      %dma_wait3A_259 = arith.constant 0 : i32
      %dma_wait3A_260 = tpu.memref_slice %arg6[%dma_wait3A_249, %dma_wait3A_258, %dma_wait3A_259] : memref<4x200x64xf32, #tpu.memory_space<vmem>> -> memref<1x200x64xf32, #tpu.memory_space<vmem>>
      %dma_wait3A_261 = tpu.memref_squeeze %dma_wait3A_260 : memref<1x200x64xf32, #tpu.memory_space<vmem>> -> memref<200x64xf32, #tpu.memory_space<vmem>>
      tpu.wait_dma2 semaphore(%arg11 : memref<!tpu.dma_semaphore, #tpu.memory_space<semaphore_mem>>) src(%dma_wait3A_261 : memref<200x64xf32, #tpu.memory_space<vmem>>) dst(%dma_wait3A_257 : memref<200x64xf32, #tpu.memory_space<hbm>>)
      %add3A_262 = arith.constant 3 : i32
      %add3A_263 = arith.addi %add3A_244, %add3A_262 : i32
      %dma_start3A_264 = arith.constant 0 : i32
      %dma_start3A_265 = arith.constant 0 : i32
      %dma_start3A_266 = arith.constant 0 : i32
      %dma_start3A_267 = tpu.memref_slice %arg6[%dma_start3A_264, %dma_start3A_265, %dma_start3A_266] : memref<4x200x64xf32, #tpu.memory_space<vmem>> -> memref<1x200x64xf32, #tpu.memory_space<vmem>>
      %dma_start3A_268 = tpu.memref_squeeze %dma_start3A_267 : memref<1x200x64xf32, #tpu.memory_space<vmem>> -> memref<200x64xf32, #tpu.memory_space<vmem>>
      %dma_start3A_269 = arith.constant 0 : i32
      %dma_start3A_270 = tpu.memref_slice %arg5[%add3A_263, %dma_start3A_269] : memref<128x200xi32, #tpu.memory_space<vmem>> -> memref<1x200xi32, #tpu.memory_space<vmem>>
      %dma_start3A_271 = tpu.memref_squeeze %dma_start3A_270 : memref<1x200xi32, #tpu.memory_space<vmem>> -> memref<200xi32, #tpu.memory_space<vmem>>
      %dma_start3A_272 = arith.constant 0 : i32
      %dma_start3A_273 = arith.constant 0 : i32
      %dma_start3A_274 = tpu.memref_slice %arg3[%dma_start3A_272, %dma_start3A_273] : memref<1000000x64xf32, #tpu.memory_space<hbm>> -> memref<1000000x64xf32, #tpu.memory_space<hbm>>
      tpu.enqueue_indirect_dma source(%dma_start3A_274 : memref<1000000x64xf32, #tpu.memory_space<hbm>>) target(%dma_start3A_268 : memref<200x64xf32, #tpu.memory_space<vmem>>) offsets(%dma_start3A_271 : memref<200xi32, #tpu.memory_space<vmem>>) semaphore(%arg7 : memref<!tpu.dma_semaphore, #tpu.memory_space<semaphore_mem>>)
      %dma_wait3A_275 = arith.constant 1 : i32
      %dma_wait3A_276 = arith.constant 0 : i32
      %dma_wait3A_277 = arith.constant 0 : i32
      %dma_wait3A_278 = tpu.memref_slice %arg6[%dma_wait3A_275, %dma_wait3A_276, %dma_wait3A_277] : memref<4x200x64xf32, #tpu.memory_space<vmem>> -> memref<1x200x64xf32, #tpu.memory_space<vmem>>
      %dma_wait3A_279 = tpu.memref_squeeze %dma_wait3A_278 : memref<1x200x64xf32, #tpu.memory_space<vmem>> -> memref<200x64xf32, #tpu.memory_space<vmem>>
      %dma_wait3A_280 = arith.constant 0 : i32
      %dma_wait3A_281 = tpu.memref_slice %arg5[%add3A_244, %dma_wait3A_280] : memref<128x200xi32, #tpu.memory_space<vmem>> -> memref<1x200xi32, #tpu.memory_space<vmem>>
      %dma_wait3A_282 = tpu.memref_squeeze %dma_wait3A_281 : memref<1x200xi32, #tpu.memory_space<vmem>> -> memref<200xi32, #tpu.memory_space<vmem>>
      %dma_wait3A_283 = arith.constant 0 : i32
      %dma_wait3A_284 = arith.constant 0 : i32
      %dma_wait3A_285 = tpu.memref_slice %arg3[%dma_wait3A_283, %dma_wait3A_284] : memref<1000000x64xf32, #tpu.memory_space<hbm>> -> memref<1000000x64xf32, #tpu.memory_space<hbm>>
      tpu.wait_indirect_dma semaphore(%arg8 : memref<!tpu.dma_semaphore, #tpu.memory_space<semaphore_mem>>) src(%dma_wait3A_285 : memref<1000000x64xf32, #tpu.memory_space<hbm>>) dst(%dma_wait3A_279 : memref<200x64xf32, #tpu.memory_space<vmem>>)
      %add3A_286 = arith.addi %mul3A_2, %add3A_244 : i32
      %mul3A_287 = arith.constant 200 : i32
      %mul3A_288 = arith.muli %add3A_286, %mul3A_287 : i32
      %dma_start3A_289 = arith.constant 1 : i32
      %dma_start3A_290 = arith.constant 0 : i32
      %dma_start3A_291 = arith.constant 0 : i32
      %dma_start3A_292 = tpu.memref_slice %arg6[%dma_start3A_289, %dma_start3A_290, %dma_start3A_291] : memref<4x200x64xf32, #tpu.memory_space<vmem>> -> memref<1x200x64xf32, #tpu.memory_space<vmem>>
      %dma_start3A_293 = tpu.memref_squeeze %dma_start3A_292 : memref<1x200x64xf32, #tpu.memory_space<vmem>> -> memref<200x64xf32, #tpu.memory_space<vmem>>
      %dma_start3A_294 = arith.constant 0 : i32
      %dma_start3A_295 = tpu.memref_slice %arg4[%mul3A_288, %dma_start3A_294] : memref<819200x64xf32, #tpu.memory_space<hbm>> -> memref<200x64xf32, #tpu.memory_space<hbm>>
      %dma_start3A_296 = arith.constant 0 : i32
      %dma_start3A_297 = tpu.memref_slice %arg4[%mul3A_288, %dma_start3A_296] : memref<819200x64xf32, #tpu.memory_space<hbm>> -> memref<200x64xf32, #tpu.memory_space<hbm>>
      %dma_start3A_298 = arith.constant 0 : i32
      %dma_start3A_299 = arith.constant 0 : i32
      %dma_start3A_300 = tpu.memref_slice %arg6[%dma_start3A_289, %dma_start3A_298, %dma_start3A_299] : memref<4x200x64xf32, #tpu.memory_space<vmem>> -> memref<1x200x64xf32, #tpu.memory_space<vmem>>
      %dma_start3A_301 = tpu.memref_squeeze %dma_start3A_300 : memref<1x200x64xf32, #tpu.memory_space<vmem>> -> memref<200x64xf32, #tpu.memory_space<vmem>>
      tpu.enqueue_dma source(%dma_start3A_301 : memref<200x64xf32, #tpu.memory_space<vmem>>) target(%dma_start3A_297 : memref<200x64xf32, #tpu.memory_space<hbm>>) target_semaphore(%arg12 : memref<!tpu.dma_semaphore, #tpu.memory_space<semaphore_mem>>)
      %mul3A_302 = arith.constant 4 : i32
      %mul3A_303 = arith.muli %scan3A_238, %mul3A_302 : i32
      %add3A_304 = arith.constant 1 : i32
      %add3A_305 = arith.addi %add3A_304, %mul3A_303 : i32
      %add3A_306 = arith.constant 1 : i32
      %add3A_307 = arith.addi %add3A_305, %add3A_306 : i32
      %sub3A_308 = arith.constant 1 : i32
      %sub3A_309 = arith.subi %add3A_307, %sub3A_308 : i32
      %add3A_310 = arith.addi %mul3A_2, %sub3A_309 : i32
      %mul3A_311 = arith.constant 200 : i32
      %mul3A_312 = arith.muli %add3A_310, %mul3A_311 : i32
      %dma_wait3A_313 = arith.constant 1 : i32
      %dma_wait3A_314 = arith.constant 0 : i32
      %dma_wait3A_315 = arith.constant 0 : i32
      %dma_wait3A_316 = tpu.memref_slice %arg6[%dma_wait3A_313, %dma_wait3A_314, %dma_wait3A_315] : memref<4x200x64xf32, #tpu.memory_space<vmem>> -> memref<1x200x64xf32, #tpu.memory_space<vmem>>
      %dma_wait3A_317 = tpu.memref_squeeze %dma_wait3A_316 : memref<1x200x64xf32, #tpu.memory_space<vmem>> -> memref<200x64xf32, #tpu.memory_space<vmem>>
      %dma_wait3A_318 = arith.constant 0 : i32
      %dma_wait3A_319 = tpu.memref_slice %arg4[%mul3A_312, %dma_wait3A_318] : memref<819200x64xf32, #tpu.memory_space<hbm>> -> memref<200x64xf32, #tpu.memory_space<hbm>>
      %dma_wait3A_320 = arith.constant 0 : i32
      %dma_wait3A_321 = tpu.memref_slice %arg4[%mul3A_312, %dma_wait3A_320] : memref<819200x64xf32, #tpu.memory_space<hbm>> -> memref<200x64xf32, #tpu.memory_space<hbm>>
      %dma_wait3A_322 = arith.constant 0 : i32
      %dma_wait3A_323 = arith.constant 0 : i32
      %dma_wait3A_324 = tpu.memref_slice %arg6[%dma_wait3A_313, %dma_wait3A_322, %dma_wait3A_323] : memref<4x200x64xf32, #tpu.memory_space<vmem>> -> memref<1x200x64xf32, #tpu.memory_space<vmem>>
      %dma_wait3A_325 = tpu.memref_squeeze %dma_wait3A_324 : memref<1x200x64xf32, #tpu.memory_space<vmem>> -> memref<200x64xf32, #tpu.memory_space<vmem>>
      tpu.wait_dma2 semaphore(%arg12 : memref<!tpu.dma_semaphore, #tpu.memory_space<semaphore_mem>>) src(%dma_wait3A_325 : memref<200x64xf32, #tpu.memory_space<vmem>>) dst(%dma_wait3A_321 : memref<200x64xf32, #tpu.memory_space<hbm>>)
      %add3A_326 = arith.constant 3 : i32
      %add3A_327 = arith.addi %add3A_307, %add3A_326 : i32
      %dma_start3A_328 = arith.constant 1 : i32
      %dma_start3A_329 = arith.constant 0 : i32
      %dma_start3A_330 = arith.constant 0 : i32
      %dma_start3A_331 = tpu.memref_slice %arg6[%dma_start3A_328, %dma_start3A_329, %dma_start3A_330] : memref<4x200x64xf32, #tpu.memory_space<vmem>> -> memref<1x200x64xf32, #tpu.memory_space<vmem>>
      %dma_start3A_332 = tpu.memref_squeeze %dma_start3A_331 : memref<1x200x64xf32, #tpu.memory_space<vmem>> -> memref<200x64xf32, #tpu.memory_space<vmem>>
      %dma_start3A_333 = arith.constant 0 : i32
      %dma_start3A_334 = tpu.memref_slice %arg5[%add3A_327, %dma_start3A_333] : memref<128x200xi32, #tpu.memory_space<vmem>> -> memref<1x200xi32, #tpu.memory_space<vmem>>
      %dma_start3A_335 = tpu.memref_squeeze %dma_start3A_334 : memref<1x200xi32, #tpu.memory_space<vmem>> -> memref<200xi32, #tpu.memory_space<vmem>>
      %dma_start3A_336 = arith.constant 0 : i32
      %dma_start3A_337 = arith.constant 0 : i32
      %dma_start3A_338 = tpu.memref_slice %arg3[%dma_start3A_336, %dma_start3A_337] : memref<1000000x64xf32, #tpu.memory_space<hbm>> -> memref<1000000x64xf32, #tpu.memory_space<hbm>>
      tpu.enqueue_indirect_dma source(%dma_start3A_338 : memref<1000000x64xf32, #tpu.memory_space<hbm>>) target(%dma_start3A_332 : memref<200x64xf32, #tpu.memory_space<vmem>>) offsets(%dma_start3A_335 : memref<200xi32, #tpu.memory_space<vmem>>) semaphore(%arg8 : memref<!tpu.dma_semaphore, #tpu.memory_space<semaphore_mem>>)
      %dma_wait3A_339 = arith.constant 2 : i32
      %dma_wait3A_340 = arith.constant 0 : i32
      %dma_wait3A_341 = arith.constant 0 : i32
      %dma_wait3A_342 = tpu.memref_slice %arg6[%dma_wait3A_339, %dma_wait3A_340, %dma_wait3A_341] : memref<4x200x64xf32, #tpu.memory_space<vmem>> -> memref<1x200x64xf32, #tpu.memory_space<vmem>>
      %dma_wait3A_343 = tpu.memref_squeeze %dma_wait3A_342 : memref<1x200x64xf32, #tpu.memory_space<vmem>> -> memref<200x64xf32, #tpu.memory_space<vmem>>
      %dma_wait3A_344 = arith.constant 0 : i32
      %dma_wait3A_345 = tpu.memref_slice %arg5[%add3A_307, %dma_wait3A_344] : memref<128x200xi32, #tpu.memory_space<vmem>> -> memref<1x200xi32, #tpu.memory_space<vmem>>
      %dma_wait3A_346 = tpu.memref_squeeze %dma_wait3A_345 : memref<1x200xi32, #tpu.memory_space<vmem>> -> memref<200xi32, #tpu.memory_space<vmem>>
      %dma_wait3A_347 = arith.constant 0 : i32
      %dma_wait3A_348 = arith.constant 0 : i32
      %dma_wait3A_349 = tpu.memref_slice %arg3[%dma_wait3A_347, %dma_wait3A_348] : memref<1000000x64xf32, #tpu.memory_space<hbm>> -> memref<1000000x64xf32, #tpu.memory_space<hbm>>
      tpu.wait_indirect_dma semaphore(%arg9 : memref<!tpu.dma_semaphore, #tpu.memory_space<semaphore_mem>>) src(%dma_wait3A_349 : memref<1000000x64xf32, #tpu.memory_space<hbm>>) dst(%dma_wait3A_343 : memref<200x64xf32, #tpu.memory_space<vmem>>)
      %add3A_350 = arith.addi %mul3A_2, %add3A_307 : i32
      %mul3A_351 = arith.constant 200 : i32
      %mul3A_352 = arith.muli %add3A_350, %mul3A_351 : i32
      %dma_start3A_353 = arith.constant 2 : i32
      %dma_start3A_354 = arith.constant 0 : i32
      %dma_start3A_355 = arith.constant 0 : i32
      %dma_start3A_356 = tpu.memref_slice %arg6[%dma_start3A_353, %dma_start3A_354, %dma_start3A_355] : memref<4x200x64xf32, #tpu.memory_space<vmem>> -> memref<1x200x64xf32, #tpu.memory_space<vmem>>
      %dma_start3A_357 = tpu.memref_squeeze %dma_start3A_356 : memref<1x200x64xf32, #tpu.memory_space<vmem>> -> memref<200x64xf32, #tpu.memory_space<vmem>>
      %dma_start3A_358 = arith.constant 0 : i32
      %dma_start3A_359 = tpu.memref_slice %arg4[%mul3A_352, %dma_start3A_358] : memref<819200x64xf32, #tpu.memory_space<hbm>> -> memref<200x64xf32, #tpu.memory_space<hbm>>
      %dma_start3A_360 = arith.constant 0 : i32
      %dma_start3A_361 = tpu.memref_slice %arg4[%mul3A_352, %dma_start3A_360] : memref<819200x64xf32, #tpu.memory_space<hbm>> -> memref<200x64xf32, #tpu.memory_space<hbm>>
      %dma_start3A_362 = arith.constant 0 : i32
      %dma_start3A_363 = arith.constant 0 : i32
      %dma_start3A_364 = tpu.memref_slice %arg6[%dma_start3A_353, %dma_start3A_362, %dma_start3A_363] : memref<4x200x64xf32, #tpu.memory_space<vmem>> -> memref<1x200x64xf32, #tpu.memory_space<vmem>>
      %dma_start3A_365 = tpu.memref_squeeze %dma_start3A_364 : memref<1x200x64xf32, #tpu.memory_space<vmem>> -> memref<200x64xf32, #tpu.memory_space<vmem>>
      tpu.enqueue_dma source(%dma_start3A_365 : memref<200x64xf32, #tpu.memory_space<vmem>>) target(%dma_start3A_361 : memref<200x64xf32, #tpu.memory_space<hbm>>) target_semaphore(%arg13 : memref<!tpu.dma_semaphore, #tpu.memory_space<semaphore_mem>>)
      %mul3A_366 = arith.constant 4 : i32
      %mul3A_367 = arith.muli %scan3A_238, %mul3A_366 : i32
      %add3A_368 = arith.constant 1 : i32
      %add3A_369 = arith.addi %add3A_368, %mul3A_367 : i32
      %add3A_370 = arith.constant 2 : i32
      %add3A_371 = arith.addi %add3A_369, %add3A_370 : i32
      %sub3A_372 = arith.constant 1 : i32
      %sub3A_373 = arith.subi %add3A_371, %sub3A_372 : i32
      %add3A_374 = arith.addi %mul3A_2, %sub3A_373 : i32
      %mul3A_375 = arith.constant 200 : i32
      %mul3A_376 = arith.muli %add3A_374, %mul3A_375 : i32
      %dma_wait3A_377 = arith.constant 2 : i32
      %dma_wait3A_378 = arith.constant 0 : i32
      %dma_wait3A_379 = arith.constant 0 : i32
      %dma_wait3A_380 = tpu.memref_slice %arg6[%dma_wait3A_377, %dma_wait3A_378, %dma_wait3A_379] : memref<4x200x64xf32, #tpu.memory_space<vmem>> -> memref<1x200x64xf32, #tpu.memory_space<vmem>>
      %dma_wait3A_381 = tpu.memref_squeeze %dma_wait3A_380 : memref<1x200x64xf32, #tpu.memory_space<vmem>> -> memref<200x64xf32, #tpu.memory_space<vmem>>
      %dma_wait3A_382 = arith.constant 0 : i32
      %dma_wait3A_383 = tpu.memref_slice %arg4[%mul3A_376, %dma_wait3A_382] : memref<819200x64xf32, #tpu.memory_space<hbm>> -> memref<200x64xf32, #tpu.memory_space<hbm>>
      %dma_wait3A_384 = arith.constant 0 : i32
      %dma_wait3A_385 = tpu.memref_slice %arg4[%mul3A_376, %dma_wait3A_384] : memref<819200x64xf32, #tpu.memory_space<hbm>> -> memref<200x64xf32, #tpu.memory_space<hbm>>
      %dma_wait3A_386 = arith.constant 0 : i32
      %dma_wait3A_387 = arith.constant 0 : i32
      %dma_wait3A_388 = tpu.memref_slice %arg6[%dma_wait3A_377, %dma_wait3A_386, %dma_wait3A_387] : memref<4x200x64xf32, #tpu.memory_space<vmem>> -> memref<1x200x64xf32, #tpu.memory_space<vmem>>
      %dma_wait3A_389 = tpu.memref_squeeze %dma_wait3A_388 : memref<1x200x64xf32, #tpu.memory_space<vmem>> -> memref<200x64xf32, #tpu.memory_space<vmem>>
      tpu.wait_dma2 semaphore(%arg13 : memref<!tpu.dma_semaphore, #tpu.memory_space<semaphore_mem>>) src(%dma_wait3A_389 : memref<200x64xf32, #tpu.memory_space<vmem>>) dst(%dma_wait3A_385 : memref<200x64xf32, #tpu.memory_space<hbm>>)
      %add3A_390 = arith.constant 3 : i32
      %add3A_391 = arith.addi %add3A_371, %add3A_390 : i32
      %dma_start3A_392 = arith.constant 2 : i32
      %dma_start3A_393 = arith.constant 0 : i32
      %dma_start3A_394 = arith.constant 0 : i32
      %dma_start3A_395 = tpu.memref_slice %arg6[%dma_start3A_392, %dma_start3A_393, %dma_start3A_394] : memref<4x200x64xf32, #tpu.memory_space<vmem>> -> memref<1x200x64xf32, #tpu.memory_space<vmem>>
      %dma_start3A_396 = tpu.memref_squeeze %dma_start3A_395 : memref<1x200x64xf32, #tpu.memory_space<vmem>> -> memref<200x64xf32, #tpu.memory_space<vmem>>
      %dma_start3A_397 = arith.constant 0 : i32
      %dma_start3A_398 = tpu.memref_slice %arg5[%add3A_391, %dma_start3A_397] : memref<128x200xi32, #tpu.memory_space<vmem>> -> memref<1x200xi32, #tpu.memory_space<vmem>>
      %dma_start3A_399 = tpu.memref_squeeze %dma_start3A_398 : memref<1x200xi32, #tpu.memory_space<vmem>> -> memref<200xi32, #tpu.memory_space<vmem>>
      %dma_start3A_400 = arith.constant 0 : i32
      %dma_start3A_401 = arith.constant 0 : i32
      %dma_start3A_402 = tpu.memref_slice %arg3[%dma_start3A_400, %dma_start3A_401] : memref<1000000x64xf32, #tpu.memory_space<hbm>> -> memref<1000000x64xf32, #tpu.memory_space<hbm>>
      tpu.enqueue_indirect_dma source(%dma_start3A_402 : memref<1000000x64xf32, #tpu.memory_space<hbm>>) target(%dma_start3A_396 : memref<200x64xf32, #tpu.memory_space<vmem>>) offsets(%dma_start3A_399 : memref<200xi32, #tpu.memory_space<vmem>>) semaphore(%arg9 : memref<!tpu.dma_semaphore, #tpu.memory_space<semaphore_mem>>)
      %dma_wait3A_403 = arith.constant 3 : i32
      %dma_wait3A_404 = arith.constant 0 : i32
      %dma_wait3A_405 = arith.constant 0 : i32
      %dma_wait3A_406 = tpu.memref_slice %arg6[%dma_wait3A_403, %dma_wait3A_404, %dma_wait3A_405] : memref<4x200x64xf32, #tpu.memory_space<vmem>> -> memref<1x200x64xf32, #tpu.memory_space<vmem>>
      %dma_wait3A_407 = tpu.memref_squeeze %dma_wait3A_406 : memref<1x200x64xf32, #tpu.memory_space<vmem>> -> memref<200x64xf32, #tpu.memory_space<vmem>>
      %dma_wait3A_408 = arith.constant 0 : i32
      %dma_wait3A_409 = tpu.memref_slice %arg5[%add3A_371, %dma_wait3A_408] : memref<128x200xi32, #tpu.memory_space<vmem>> -> memref<1x200xi32, #tpu.memory_space<vmem>>
      %dma_wait3A_410 = tpu.memref_squeeze %dma_wait3A_409 : memref<1x200xi32, #tpu.memory_space<vmem>> -> memref<200xi32, #tpu.memory_space<vmem>>
      %dma_wait3A_411 = arith.constant 0 : i32
      %dma_wait3A_412 = arith.constant 0 : i32
      %dma_wait3A_413 = tpu.memref_slice %arg3[%dma_wait3A_411, %dma_wait3A_412] : memref<1000000x64xf32, #tpu.memory_space<hbm>> -> memref<1000000x64xf32, #tpu.memory_space<hbm>>
      tpu.wait_indirect_dma semaphore(%arg10 : memref<!tpu.dma_semaphore, #tpu.memory_space<semaphore_mem>>) src(%dma_wait3A_413 : memref<1000000x64xf32, #tpu.memory_space<hbm>>) dst(%dma_wait3A_407 : memref<200x64xf32, #tpu.memory_space<vmem>>)
      %add3A_414 = arith.addi %mul3A_2, %add3A_371 : i32
      %mul3A_415 = arith.constant 200 : i32
      %mul3A_416 = arith.muli %add3A_414, %mul3A_415 : i32
      %dma_start3A_417 = arith.constant 3 : i32
      %dma_start3A_418 = arith.constant 0 : i32
      %dma_start3A_419 = arith.constant 0 : i32
      %dma_start3A_420 = tpu.memref_slice %arg6[%dma_start3A_417, %dma_start3A_418, %dma_start3A_419] : memref<4x200x64xf32, #tpu.memory_space<vmem>> -> memref<1x200x64xf32, #tpu.memory_space<vmem>>
      %dma_start3A_421 = tpu.memref_squeeze %dma_start3A_420 : memref<1x200x64xf32, #tpu.memory_space<vmem>> -> memref<200x64xf32, #tpu.memory_space<vmem>>
      %dma_start3A_422 = arith.constant 0 : i32
      %dma_start3A_423 = tpu.memref_slice %arg4[%mul3A_416, %dma_start3A_422] : memref<819200x64xf32, #tpu.memory_space<hbm>> -> memref<200x64xf32, #tpu.memory_space<hbm>>
      %dma_start3A_424 = arith.constant 0 : i32
      %dma_start3A_425 = tpu.memref_slice %arg4[%mul3A_416, %dma_start3A_424] : memref<819200x64xf32, #tpu.memory_space<hbm>> -> memref<200x64xf32, #tpu.memory_space<hbm>>
      %dma_start3A_426 = arith.constant 0 : i32
      %dma_start3A_427 = arith.constant 0 : i32
      %dma_start3A_428 = tpu.memref_slice %arg6[%dma_start3A_417, %dma_start3A_426, %dma_start3A_427] : memref<4x200x64xf32, #tpu.memory_space<vmem>> -> memref<1x200x64xf32, #tpu.memory_space<vmem>>
      %dma_start3A_429 = tpu.memref_squeeze %dma_start3A_428 : memref<1x200x64xf32, #tpu.memory_space<vmem>> -> memref<200x64xf32, #tpu.memory_space<vmem>>
      tpu.enqueue_dma source(%dma_start3A_429 : memref<200x64xf32, #tpu.memory_space<vmem>>) target(%dma_start3A_425 : memref<200x64xf32, #tpu.memory_space<hbm>>) target_semaphore(%arg14 : memref<!tpu.dma_semaphore, #tpu.memory_space<semaphore_mem>>)
      %mul3A_430 = arith.constant 4 : i32
      %mul3A_431 = arith.muli %scan3A_238, %mul3A_430 : i32
      %add3A_432 = arith.constant 1 : i32
      %add3A_433 = arith.addi %add3A_432, %mul3A_431 : i32
      %add3A_434 = arith.constant 3 : i32
      %add3A_435 = arith.addi %add3A_433, %add3A_434 : i32
      %sub3A_436 = arith.constant 1 : i32
      %sub3A_437 = arith.subi %add3A_435, %sub3A_436 : i32
      %add3A_438 = arith.addi %mul3A_2, %sub3A_437 : i32
      %mul3A_439 = arith.constant 200 : i32
      %mul3A_440 = arith.muli %add3A_438, %mul3A_439 : i32
      %dma_wait3A_441 = arith.constant 3 : i32
      %dma_wait3A_442 = arith.constant 0 : i32
      %dma_wait3A_443 = arith.constant 0 : i32
      %dma_wait3A_444 = tpu.memref_slice %arg6[%dma_wait3A_441, %dma_wait3A_442, %dma_wait3A_443] : memref<4x200x64xf32, #tpu.memory_space<vmem>> -> memref<1x200x64xf32, #tpu.memory_space<vmem>>
      %dma_wait3A_445 = tpu.memref_squeeze %dma_wait3A_444 : memref<1x200x64xf32, #tpu.memory_space<vmem>> -> memref<200x64xf32, #tpu.memory_space<vmem>>
      %dma_wait3A_446 = arith.constant 0 : i32
      %dma_wait3A_447 = tpu.memref_slice %arg4[%mul3A_440, %dma_wait3A_446] : memref<819200x64xf32, #tpu.memory_space<hbm>> -> memref<200x64xf32, #tpu.memory_space<hbm>>
      %dma_wait3A_448 = arith.constant 0 : i32
      %dma_wait3A_449 = tpu.memref_slice %arg4[%mul3A_440, %dma_wait3A_448] : memref<819200x64xf32, #tpu.memory_space<hbm>> -> memref<200x64xf32, #tpu.memory_space<hbm>>
      %dma_wait3A_450 = arith.constant 0 : i32
      %dma_wait3A_451 = arith.constant 0 : i32
      %dma_wait3A_452 = tpu.memref_slice %arg6[%dma_wait3A_441, %dma_wait3A_450, %dma_wait3A_451] : memref<4x200x64xf32, #tpu.memory_space<vmem>> -> memref<1x200x64xf32, #tpu.memory_space<vmem>>
      %dma_wait3A_453 = tpu.memref_squeeze %dma_wait3A_452 : memref<1x200x64xf32, #tpu.memory_space<vmem>> -> memref<200x64xf32, #tpu.memory_space<vmem>>
      tpu.wait_dma2 semaphore(%arg14 : memref<!tpu.dma_semaphore, #tpu.memory_space<semaphore_mem>>) src(%dma_wait3A_453 : memref<200x64xf32, #tpu.memory_space<vmem>>) dst(%dma_wait3A_449 : memref<200x64xf32, #tpu.memory_space<hbm>>)
      %add3A_454 = arith.constant 3 : i32
      %add3A_455 = arith.addi %add3A_435, %add3A_454 : i32
      %dma_start3A_456 = arith.constant 3 : i32
      %dma_start3A_457 = arith.constant 0 : i32
      %dma_start3A_458 = arith.constant 0 : i32
      %dma_start3A_459 = tpu.memref_slice %arg6[%dma_start3A_456, %dma_start3A_457, %dma_start3A_458] : memref<4x200x64xf32, #tpu.memory_space<vmem>> -> memref<1x200x64xf32, #tpu.memory_space<vmem>>
      %dma_start3A_460 = tpu.memref_squeeze %dma_start3A_459 : memref<1x200x64xf32, #tpu.memory_space<vmem>> -> memref<200x64xf32, #tpu.memory_space<vmem>>
      %dma_start3A_461 = arith.constant 0 : i32
      %dma_start3A_462 = tpu.memref_slice %arg5[%add3A_455, %dma_start3A_461] : memref<128x200xi32, #tpu.memory_space<vmem>> -> memref<1x200xi32, #tpu.memory_space<vmem>>
      %dma_start3A_463 = tpu.memref_squeeze %dma_start3A_462 : memref<1x200xi32, #tpu.memory_space<vmem>> -> memref<200xi32, #tpu.memory_space<vmem>>
      %dma_start3A_464 = arith.constant 0 : i32
      %dma_start3A_465 = arith.constant 0 : i32
      %dma_start3A_466 = tpu.memref_slice %arg3[%dma_start3A_464, %dma_start3A_465] : memref<1000000x64xf32, #tpu.memory_space<hbm>> -> memref<1000000x64xf32, #tpu.memory_space<hbm>>
      tpu.enqueue_indirect_dma source(%dma_start3A_466 : memref<1000000x64xf32, #tpu.memory_space<hbm>>) target(%dma_start3A_460 : memref<200x64xf32, #tpu.memory_space<vmem>>) offsets(%dma_start3A_463 : memref<200xi32, #tpu.memory_space<vmem>>) semaphore(%arg10 : memref<!tpu.dma_semaphore, #tpu.memory_space<semaphore_mem>>)
      %dma_wait3A_467 = arith.constant 0 : i32
      %dma_wait3A_468 = arith.constant 0 : i32
      %dma_wait3A_469 = arith.constant 0 : i32
      %dma_wait3A_470 = tpu.memref_slice %arg6[%dma_wait3A_467, %dma_wait3A_468, %dma_wait3A_469] : memref<4x200x64xf32, #tpu.memory_space<vmem>> -> memref<1x200x64xf32, #tpu.memory_space<vmem>>
      %dma_wait3A_471 = tpu.memref_squeeze %dma_wait3A_470 : memref<1x200x64xf32, #tpu.memory_space<vmem>> -> memref<200x64xf32, #tpu.memory_space<vmem>>
      %dma_wait3A_472 = arith.constant 0 : i32
      %dma_wait3A_473 = tpu.memref_slice %arg5[%add3A_435, %dma_wait3A_472] : memref<128x200xi32, #tpu.memory_space<vmem>> -> memref<1x200xi32, #tpu.memory_space<vmem>>
      %dma_wait3A_474 = tpu.memref_squeeze %dma_wait3A_473 : memref<1x200xi32, #tpu.memory_space<vmem>> -> memref<200xi32, #tpu.memory_space<vmem>>
      %dma_wait3A_475 = arith.constant 0 : i32
      %dma_wait3A_476 = arith.constant 0 : i32
      %dma_wait3A_477 = tpu.memref_slice %arg3[%dma_wait3A_475, %dma_wait3A_476] : memref<1000000x64xf32, #tpu.memory_space<hbm>> -> memref<1000000x64xf32, #tpu.memory_space<hbm>>
      tpu.wait_indirect_dma semaphore(%arg7 : memref<!tpu.dma_semaphore, #tpu.memory_space<semaphore_mem>>) src(%dma_wait3A_477 : memref<1000000x64xf32, #tpu.memory_space<hbm>>) dst(%dma_wait3A_471 : memref<200x64xf32, #tpu.memory_space<vmem>>)
      %add3A_478 = arith.addi %mul3A_2, %add3A_435 : i32
      %mul3A_479 = arith.constant 200 : i32
      %mul3A_480 = arith.muli %add3A_478, %mul3A_479 : i32
      %dma_start3A_481 = arith.constant 0 : i32
      %dma_start3A_482 = arith.constant 0 : i32
      %dma_start3A_483 = arith.constant 0 : i32
      %dma_start3A_484 = tpu.memref_slice %arg6[%dma_start3A_481, %dma_start3A_482, %dma_start3A_483] : memref<4x200x64xf32, #tpu.memory_space<vmem>> -> memref<1x200x64xf32, #tpu.memory_space<vmem>>
      %dma_start3A_485 = tpu.memref_squeeze %dma_start3A_484 : memref<1x200x64xf32, #tpu.memory_space<vmem>> -> memref<200x64xf32, #tpu.memory_space<vmem>>
      %dma_start3A_486 = arith.constant 0 : i32
      %dma_start3A_487 = tpu.memref_slice %arg4[%mul3A_480, %dma_start3A_486] : memref<819200x64xf32, #tpu.memory_space<hbm>> -> memref<200x64xf32, #tpu.memory_space<hbm>>
      %dma_start3A_488 = arith.constant 0 : i32
      %dma_start3A_489 = tpu.memref_slice %arg4[%mul3A_480, %dma_start3A_488] : memref<819200x64xf32, #tpu.memory_space<hbm>> -> memref<200x64xf32, #tpu.memory_space<hbm>>
      %dma_start3A_490 = arith.constant 0 : i32
      %dma_start3A_491 = arith.constant 0 : i32
      %dma_start3A_492 = tpu.memref_slice %arg6[%dma_start3A_481, %dma_start3A_490, %dma_start3A_491] : memref<4x200x64xf32, #tpu.memory_space<vmem>> -> memref<1x200x64xf32, #tpu.memory_space<vmem>>
      %dma_start3A_493 = tpu.memref_squeeze %dma_start3A_492 : memref<1x200x64xf32, #tpu.memory_space<vmem>> -> memref<200x64xf32, #tpu.memory_space<vmem>>
      tpu.enqueue_dma source(%dma_start3A_493 : memref<200x64xf32, #tpu.memory_space<vmem>>) target(%dma_start3A_489 : memref<200x64xf32, #tpu.memory_space<hbm>>) target_semaphore(%arg11 : memref<!tpu.dma_semaphore, #tpu.memory_space<semaphore_mem>>)
    }
    %scan3A_82 = arith.constant 31 : i32
    %dma_wait3A_83 = arith.constant 125 : i32
    %dma_wait3A_84 = arith.constant 1 : i32
    %dma_wait3A_85 = arith.constant 0 : i32
    %dma_wait3A_86 = arith.constant 0 : i32
    %dma_wait3A_87 = tpu.memref_slice %arg6[%dma_wait3A_84, %dma_wait3A_85, %dma_wait3A_86] : memref<4x200x64xf32, #tpu.memory_space<vmem>> -> memref<1x200x64xf32, #tpu.memory_space<vmem>>
    %dma_wait3A_88 = tpu.memref_squeeze %dma_wait3A_87 : memref<1x200x64xf32, #tpu.memory_space<vmem>> -> memref<200x64xf32, #tpu.memory_space<vmem>>
    %dma_wait3A_89 = arith.constant 0 : i32
    %dma_wait3A_90 = tpu.memref_slice %arg5[%dma_wait3A_83, %dma_wait3A_89] : memref<128x200xi32, #tpu.memory_space<vmem>> -> memref<1x200xi32, #tpu.memory_space<vmem>>
    %dma_wait3A_91 = tpu.memref_squeeze %dma_wait3A_90 : memref<1x200xi32, #tpu.memory_space<vmem>> -> memref<200xi32, #tpu.memory_space<vmem>>
    %dma_wait3A_92 = arith.constant 0 : i32
    %dma_wait3A_93 = arith.constant 0 : i32
    %dma_wait3A_94 = tpu.memref_slice %arg3[%dma_wait3A_92, %dma_wait3A_93] : memref<1000000x64xf32, #tpu.memory_space<hbm>> -> memref<1000000x64xf32, #tpu.memory_space<hbm>>
    tpu.wait_indirect_dma semaphore(%arg8 : memref<!tpu.dma_semaphore, #tpu.memory_space<semaphore_mem>>) src(%dma_wait3A_94 : memref<1000000x64xf32, #tpu.memory_space<hbm>>) dst(%dma_wait3A_88 : memref<200x64xf32, #tpu.memory_space<vmem>>)
    %add3A_95 = arith.constant 125 : i32
    %add3A_96 = arith.addi %mul3A_2, %add3A_95 : i32
    %mul3A_97 = arith.constant 200 : i32
    %mul3A_98 = arith.muli %add3A_96, %mul3A_97 : i32
    %dma_start3A_99 = arith.constant 1 : i32
    %dma_start3A_100 = arith.constant 0 : i32
    %dma_start3A_101 = arith.constant 0 : i32
    %dma_start3A_102 = tpu.memref_slice %arg6[%dma_start3A_99, %dma_start3A_100, %dma_start3A_101] : memref<4x200x64xf32, #tpu.memory_space<vmem>> -> memref<1x200x64xf32, #tpu.memory_space<vmem>>
    %dma_start3A_103 = tpu.memref_squeeze %dma_start3A_102 : memref<1x200x64xf32, #tpu.memory_space<vmem>> -> memref<200x64xf32, #tpu.memory_space<vmem>>
    %dma_start3A_104 = arith.constant 0 : i32
    %dma_start3A_105 = tpu.memref_slice %arg4[%mul3A_98, %dma_start3A_104] : memref<819200x64xf32, #tpu.memory_space<hbm>> -> memref<200x64xf32, #tpu.memory_space<hbm>>
    %dma_start3A_106 = arith.constant 0 : i32
    %dma_start3A_107 = tpu.memref_slice %arg4[%mul3A_98, %dma_start3A_106] : memref<819200x64xf32, #tpu.memory_space<hbm>> -> memref<200x64xf32, #tpu.memory_space<hbm>>
    %dma_start3A_108 = arith.constant 0 : i32
    %dma_start3A_109 = arith.constant 0 : i32
    %dma_start3A_110 = tpu.memref_slice %arg6[%dma_start3A_99, %dma_start3A_108, %dma_start3A_109] : memref<4x200x64xf32, #tpu.memory_space<vmem>> -> memref<1x200x64xf32, #tpu.memory_space<vmem>>
    %dma_start3A_111 = tpu.memref_squeeze %dma_start3A_110 : memref<1x200x64xf32, #tpu.memory_space<vmem>> -> memref<200x64xf32, #tpu.memory_space<vmem>>
    tpu.enqueue_dma source(%dma_start3A_111 : memref<200x64xf32, #tpu.memory_space<vmem>>) target(%dma_start3A_107 : memref<200x64xf32, #tpu.memory_space<hbm>>) target_semaphore(%arg12 : memref<!tpu.dma_semaphore, #tpu.memory_space<semaphore_mem>>)
    %dma_wait3A_112 = arith.constant 126 : i32
    %dma_wait3A_113 = arith.constant 2 : i32
    %dma_wait3A_114 = arith.constant 0 : i32
    %dma_wait3A_115 = arith.constant 0 : i32
    %dma_wait3A_116 = tpu.memref_slice %arg6[%dma_wait3A_113, %dma_wait3A_114, %dma_wait3A_115] : memref<4x200x64xf32, #tpu.memory_space<vmem>> -> memref<1x200x64xf32, #tpu.memory_space<vmem>>
    %dma_wait3A_117 = tpu.memref_squeeze %dma_wait3A_116 : memref<1x200x64xf32, #tpu.memory_space<vmem>> -> memref<200x64xf32, #tpu.memory_space<vmem>>
    %dma_wait3A_118 = arith.constant 0 : i32
    %dma_wait3A_119 = tpu.memref_slice %arg5[%dma_wait3A_112, %dma_wait3A_118] : memref<128x200xi32, #tpu.memory_space<vmem>> -> memref<1x200xi32, #tpu.memory_space<vmem>>
    %dma_wait3A_120 = tpu.memref_squeeze %dma_wait3A_119 : memref<1x200xi32, #tpu.memory_space<vmem>> -> memref<200xi32, #tpu.memory_space<vmem>>
    %dma_wait3A_121 = arith.constant 0 : i32
    %dma_wait3A_122 = arith.constant 0 : i32
    %dma_wait3A_123 = tpu.memref_slice %arg3[%dma_wait3A_121, %dma_wait3A_122] : memref<1000000x64xf32, #tpu.memory_space<hbm>> -> memref<1000000x64xf32, #tpu.memory_space<hbm>>
    tpu.wait_indirect_dma semaphore(%arg9 : memref<!tpu.dma_semaphore, #tpu.memory_space<semaphore_mem>>) src(%dma_wait3A_123 : memref<1000000x64xf32, #tpu.memory_space<hbm>>) dst(%dma_wait3A_117 : memref<200x64xf32, #tpu.memory_space<vmem>>)
    %add3A_124 = arith.constant 126 : i32
    %add3A_125 = arith.addi %mul3A_2, %add3A_124 : i32
    %mul3A_126 = arith.constant 200 : i32
    %mul3A_127 = arith.muli %add3A_125, %mul3A_126 : i32
    %dma_start3A_128 = arith.constant 2 : i32
    %dma_start3A_129 = arith.constant 0 : i32
    %dma_start3A_130 = arith.constant 0 : i32
    %dma_start3A_131 = tpu.memref_slice %arg6[%dma_start3A_128, %dma_start3A_129, %dma_start3A_130] : memref<4x200x64xf32, #tpu.memory_space<vmem>> -> memref<1x200x64xf32, #tpu.memory_space<vmem>>
    %dma_start3A_132 = tpu.memref_squeeze %dma_start3A_131 : memref<1x200x64xf32, #tpu.memory_space<vmem>> -> memref<200x64xf32, #tpu.memory_space<vmem>>
    %dma_start3A_133 = arith.constant 0 : i32
    %dma_start3A_134 = tpu.memref_slice %arg4[%mul3A_127, %dma_start3A_133] : memref<819200x64xf32, #tpu.memory_space<hbm>> -> memref<200x64xf32, #tpu.memory_space<hbm>>
    %dma_start3A_135 = arith.constant 0 : i32
    %dma_start3A_136 = tpu.memref_slice %arg4[%mul3A_127, %dma_start3A_135] : memref<819200x64xf32, #tpu.memory_space<hbm>> -> memref<200x64xf32, #tpu.memory_space<hbm>>
    %dma_start3A_137 = arith.constant 0 : i32
    %dma_start3A_138 = arith.constant 0 : i32
    %dma_start3A_139 = tpu.memref_slice %arg6[%dma_start3A_128, %dma_start3A_137, %dma_start3A_138] : memref<4x200x64xf32, #tpu.memory_space<vmem>> -> memref<1x200x64xf32, #tpu.memory_space<vmem>>
    %dma_start3A_140 = tpu.memref_squeeze %dma_start3A_139 : memref<1x200x64xf32, #tpu.memory_space<vmem>> -> memref<200x64xf32, #tpu.memory_space<vmem>>
    tpu.enqueue_dma source(%dma_start3A_140 : memref<200x64xf32, #tpu.memory_space<vmem>>) target(%dma_start3A_136 : memref<200x64xf32, #tpu.memory_space<hbm>>) target_semaphore(%arg13 : memref<!tpu.dma_semaphore, #tpu.memory_space<semaphore_mem>>)
    %dma_wait3A_141 = arith.constant 127 : i32
    %dma_wait3A_142 = arith.constant 3 : i32
    %dma_wait3A_143 = arith.constant 0 : i32
    %dma_wait3A_144 = arith.constant 0 : i32
    %dma_wait3A_145 = tpu.memref_slice %arg6[%dma_wait3A_142, %dma_wait3A_143, %dma_wait3A_144] : memref<4x200x64xf32, #tpu.memory_space<vmem>> -> memref<1x200x64xf32, #tpu.memory_space<vmem>>
    %dma_wait3A_146 = tpu.memref_squeeze %dma_wait3A_145 : memref<1x200x64xf32, #tpu.memory_space<vmem>> -> memref<200x64xf32, #tpu.memory_space<vmem>>
    %dma_wait3A_147 = arith.constant 0 : i32
    %dma_wait3A_148 = tpu.memref_slice %arg5[%dma_wait3A_141, %dma_wait3A_147] : memref<128x200xi32, #tpu.memory_space<vmem>> -> memref<1x200xi32, #tpu.memory_space<vmem>>
    %dma_wait3A_149 = tpu.memref_squeeze %dma_wait3A_148 : memref<1x200xi32, #tpu.memory_space<vmem>> -> memref<200xi32, #tpu.memory_space<vmem>>
    %dma_wait3A_150 = arith.constant 0 : i32
    %dma_wait3A_151 = arith.constant 0 : i32
    %dma_wait3A_152 = tpu.memref_slice %arg3[%dma_wait3A_150, %dma_wait3A_151] : memref<1000000x64xf32, #tpu.memory_space<hbm>> -> memref<1000000x64xf32, #tpu.memory_space<hbm>>
    tpu.wait_indirect_dma semaphore(%arg10 : memref<!tpu.dma_semaphore, #tpu.memory_space<semaphore_mem>>) src(%dma_wait3A_152 : memref<1000000x64xf32, #tpu.memory_space<hbm>>) dst(%dma_wait3A_146 : memref<200x64xf32, #tpu.memory_space<vmem>>)
    %add3A_153 = arith.constant 127 : i32
    %add3A_154 = arith.addi %mul3A_2, %add3A_153 : i32
    %mul3A_155 = arith.constant 200 : i32
    %mul3A_156 = arith.muli %add3A_154, %mul3A_155 : i32
    %dma_start3A_157 = arith.constant 3 : i32
    %dma_start3A_158 = arith.constant 0 : i32
    %dma_start3A_159 = arith.constant 0 : i32
    %dma_start3A_160 = tpu.memref_slice %arg6[%dma_start3A_157, %dma_start3A_158, %dma_start3A_159] : memref<4x200x64xf32, #tpu.memory_space<vmem>> -> memref<1x200x64xf32, #tpu.memory_space<vmem>>
    %dma_start3A_161 = tpu.memref_squeeze %dma_start3A_160 : memref<1x200x64xf32, #tpu.memory_space<vmem>> -> memref<200x64xf32, #tpu.memory_space<vmem>>
    %dma_start3A_162 = arith.constant 0 : i32
    %dma_start3A_163 = tpu.memref_slice %arg4[%mul3A_156, %dma_start3A_162] : memref<819200x64xf32, #tpu.memory_space<hbm>> -> memref<200x64xf32, #tpu.memory_space<hbm>>
    %dma_start3A_164 = arith.constant 0 : i32
    %dma_start3A_165 = tpu.memref_slice %arg4[%mul3A_156, %dma_start3A_164] : memref<819200x64xf32, #tpu.memory_space<hbm>> -> memref<200x64xf32, #tpu.memory_space<hbm>>
    %dma_start3A_166 = arith.constant 0 : i32
    %dma_start3A_167 = arith.constant 0 : i32
    %dma_start3A_168 = tpu.memref_slice %arg6[%dma_start3A_157, %dma_start3A_166, %dma_start3A_167] : memref<4x200x64xf32, #tpu.memory_space<vmem>> -> memref<1x200x64xf32, #tpu.memory_space<vmem>>
    %dma_start3A_169 = tpu.memref_squeeze %dma_start3A_168 : memref<1x200x64xf32, #tpu.memory_space<vmem>> -> memref<200x64xf32, #tpu.memory_space<vmem>>
    tpu.enqueue_dma source(%dma_start3A_169 : memref<200x64xf32, #tpu.memory_space<vmem>>) target(%dma_start3A_165 : memref<200x64xf32, #tpu.memory_space<hbm>>) target_semaphore(%arg14 : memref<!tpu.dma_semaphore, #tpu.memory_space<semaphore_mem>>)
    %add3A_170 = arith.constant 124 : i32
    %add3A_171 = arith.addi %mul3A_2, %add3A_170 : i32
    %mul3A_172 = arith.constant 200 : i32
    %mul3A_173 = arith.muli %add3A_171, %mul3A_172 : i32
    %dma_wait3A_174 = arith.constant 0 : i32
    %dma_wait3A_175 = arith.constant 0 : i32
    %dma_wait3A_176 = arith.constant 0 : i32
    %dma_wait3A_177 = tpu.memref_slice %arg6[%dma_wait3A_174, %dma_wait3A_175, %dma_wait3A_176] : memref<4x200x64xf32, #tpu.memory_space<vmem>> -> memref<1x200x64xf32, #tpu.memory_space<vmem>>
    %dma_wait3A_178 = tpu.memref_squeeze %dma_wait3A_177 : memref<1x200x64xf32, #tpu.memory_space<vmem>> -> memref<200x64xf32, #tpu.memory_space<vmem>>
    %dma_wait3A_179 = arith.constant 0 : i32
    %dma_wait3A_180 = tpu.memref_slice %arg4[%mul3A_173, %dma_wait3A_179] : memref<819200x64xf32, #tpu.memory_space<hbm>> -> memref<200x64xf32, #tpu.memory_space<hbm>>
    %dma_wait3A_181 = arith.constant 0 : i32
    %dma_wait3A_182 = tpu.memref_slice %arg4[%mul3A_173, %dma_wait3A_181] : memref<819200x64xf32, #tpu.memory_space<hbm>> -> memref<200x64xf32, #tpu.memory_space<hbm>>
    %dma_wait3A_183 = arith.constant 0 : i32
    %dma_wait3A_184 = arith.constant 0 : i32
    %dma_wait3A_185 = tpu.memref_slice %arg6[%dma_wait3A_174, %dma_wait3A_183, %dma_wait3A_184] : memref<4x200x64xf32, #tpu.memory_space<vmem>> -> memref<1x200x64xf32, #tpu.memory_space<vmem>>
    %dma_wait3A_186 = tpu.memref_squeeze %dma_wait3A_185 : memref<1x200x64xf32, #tpu.memory_space<vmem>> -> memref<200x64xf32, #tpu.memory_space<vmem>>
    tpu.wait_dma2 semaphore(%arg11 : memref<!tpu.dma_semaphore, #tpu.memory_space<semaphore_mem>>) src(%dma_wait3A_186 : memref<200x64xf32, #tpu.memory_space<vmem>>) dst(%dma_wait3A_182 : memref<200x64xf32, #tpu.memory_space<hbm>>)
    %add3A_187 = arith.constant 125 : i32
    %add3A_188 = arith.addi %mul3A_2, %add3A_187 : i32
    %mul3A_189 = arith.constant 200 : i32
    %mul3A_190 = arith.muli %add3A_188, %mul3A_189 : i32
    %dma_wait3A_191 = arith.constant 1 : i32
    %dma_wait3A_192 = arith.constant 0 : i32
    %dma_wait3A_193 = arith.constant 0 : i32
    %dma_wait3A_194 = tpu.memref_slice %arg6[%dma_wait3A_191, %dma_wait3A_192, %dma_wait3A_193] : memref<4x200x64xf32, #tpu.memory_space<vmem>> -> memref<1x200x64xf32, #tpu.memory_space<vmem>>
    %dma_wait3A_195 = tpu.memref_squeeze %dma_wait3A_194 : memref<1x200x64xf32, #tpu.memory_space<vmem>> -> memref<200x64xf32, #tpu.memory_space<vmem>>
    %dma_wait3A_196 = arith.constant 0 : i32
    %dma_wait3A_197 = tpu.memref_slice %arg4[%mul3A_190, %dma_wait3A_196] : memref<819200x64xf32, #tpu.memory_space<hbm>> -> memref<200x64xf32, #tpu.memory_space<hbm>>
    %dma_wait3A_198 = arith.constant 0 : i32
    %dma_wait3A_199 = tpu.memref_slice %arg4[%mul3A_190, %dma_wait3A_198] : memref<819200x64xf32, #tpu.memory_space<hbm>> -> memref<200x64xf32, #tpu.memory_space<hbm>>
    %dma_wait3A_200 = arith.constant 0 : i32
    %dma_wait3A_201 = arith.constant 0 : i32
    %dma_wait3A_202 = tpu.memref_slice %arg6[%dma_wait3A_191, %dma_wait3A_200, %dma_wait3A_201] : memref<4x200x64xf32, #tpu.memory_space<vmem>> -> memref<1x200x64xf32, #tpu.memory_space<vmem>>
    %dma_wait3A_203 = tpu.memref_squeeze %dma_wait3A_202 : memref<1x200x64xf32, #tpu.memory_space<vmem>> -> memref<200x64xf32, #tpu.memory_space<vmem>>
    tpu.wait_dma2 semaphore(%arg12 : memref<!tpu.dma_semaphore, #tpu.memory_space<semaphore_mem>>) src(%dma_wait3A_203 : memref<200x64xf32, #tpu.memory_space<vmem>>) dst(%dma_wait3A_199 : memref<200x64xf32, #tpu.memory_space<hbm>>)
    %add3A_204 = arith.constant 126 : i32
    %add3A_205 = arith.addi %mul3A_2, %add3A_204 : i32
    %mul3A_206 = arith.constant 200 : i32
    %mul3A_207 = arith.muli %add3A_205, %mul3A_206 : i32
    %dma_wait3A_208 = arith.constant 2 : i32
    %dma_wait3A_209 = arith.constant 0 : i32
    %dma_wait3A_210 = arith.constant 0 : i32
    %dma_wait3A_211 = tpu.memref_slice %arg6[%dma_wait3A_208, %dma_wait3A_209, %dma_wait3A_210] : memref<4x200x64xf32, #tpu.memory_space<vmem>> -> memref<1x200x64xf32, #tpu.memory_space<vmem>>
    %dma_wait3A_212 = tpu.memref_squeeze %dma_wait3A_211 : memref<1x200x64xf32, #tpu.memory_space<vmem>> -> memref<200x64xf32, #tpu.memory_space<vmem>>
    %dma_wait3A_213 = arith.constant 0 : i32
    %dma_wait3A_214 = tpu.memref_slice %arg4[%mul3A_207, %dma_wait3A_213] : memref<819200x64xf32, #tpu.memory_space<hbm>> -> memref<200x64xf32, #tpu.memory_space<hbm>>
    %dma_wait3A_215 = arith.constant 0 : i32
    %dma_wait3A_216 = tpu.memref_slice %arg4[%mul3A_207, %dma_wait3A_215] : memref<819200x64xf32, #tpu.memory_space<hbm>> -> memref<200x64xf32, #tpu.memory_space<hbm>>
    %dma_wait3A_217 = arith.constant 0 : i32
    %dma_wait3A_218 = arith.constant 0 : i32
    %dma_wait3A_219 = tpu.memref_slice %arg6[%dma_wait3A_208, %dma_wait3A_217, %dma_wait3A_218] : memref<4x200x64xf32, #tpu.memory_space<vmem>> -> memref<1x200x64xf32, #tpu.memory_space<vmem>>
    %dma_wait3A_220 = tpu.memref_squeeze %dma_wait3A_219 : memref<1x200x64xf32, #tpu.memory_space<vmem>> -> memref<200x64xf32, #tpu.memory_space<vmem>>
    tpu.wait_dma2 semaphore(%arg13 : memref<!tpu.dma_semaphore, #tpu.memory_space<semaphore_mem>>) src(%dma_wait3A_220 : memref<200x64xf32, #tpu.memory_space<vmem>>) dst(%dma_wait3A_216 : memref<200x64xf32, #tpu.memory_space<hbm>>)
    %add3A_221 = arith.constant 127 : i32
    %add3A_222 = arith.addi %mul3A_2, %add3A_221 : i32
    %mul3A_223 = arith.constant 200 : i32
    %mul3A_224 = arith.muli %add3A_222, %mul3A_223 : i32
    %dma_wait3A_225 = arith.constant 3 : i32
    %dma_wait3A_226 = arith.constant 0 : i32
    %dma_wait3A_227 = arith.constant 0 : i32
    %dma_wait3A_228 = tpu.memref_slice %arg6[%dma_wait3A_225, %dma_wait3A_226, %dma_wait3A_227] : memref<4x200x64xf32, #tpu.memory_space<vmem>> -> memref<1x200x64xf32, #tpu.memory_space<vmem>>
    %dma_wait3A_229 = tpu.memref_squeeze %dma_wait3A_228 : memref<1x200x64xf32, #tpu.memory_space<vmem>> -> memref<200x64xf32, #tpu.memory_space<vmem>>
    %dma_wait3A_230 = arith.constant 0 : i32
    %dma_wait3A_231 = tpu.memref_slice %arg4[%mul3A_224, %dma_wait3A_230] : memref<819200x64xf32, #tpu.memory_space<hbm>> -> memref<200x64xf32, #tpu.memory_space<hbm>>
    %dma_wait3A_232 = arith.constant 0 : i32
    %dma_wait3A_233 = tpu.memref_slice %arg4[%mul3A_224, %dma_wait3A_232] : memref<819200x64xf32, #tpu.memory_space<hbm>> -> memref<200x64xf32, #tpu.memory_space<hbm>>
    %dma_wait3A_234 = arith.constant 0 : i32
    %dma_wait3A_235 = arith.constant 0 : i32
    %dma_wait3A_236 = tpu.memref_slice %arg6[%dma_wait3A_225, %dma_wait3A_234, %dma_wait3A_235] : memref<4x200x64xf32, #tpu.memory_space<vmem>> -> memref<1x200x64xf32, #tpu.memory_space<vmem>>
    %dma_wait3A_237 = tpu.memref_squeeze %dma_wait3A_236 : memref<1x200x64xf32, #tpu.memory_space<vmem>> -> memref<200x64xf32, #tpu.memory_space<vmem>>
    tpu.wait_dma2 semaphore(%arg14 : memref<!tpu.dma_semaphore, #tpu.memory_space<semaphore_mem>>) src(%dma_wait3A_237 : memref<200x64xf32, #tpu.memory_space<vmem>>) dst(%dma_wait3A_233 : memref<200x64xf32, #tpu.memory_space<hbm>>)
    return
  }
}

</mosaic_0001>

<sc_bundles>
// kernel: kernel.3.cloned.1.call-start
scs
__scs_entry_jumppad:
0x0: {  	(pc) =	sbr.rel $0x88, $3  }
0x1: {  	(tag) =	ssettag $0x0;
	lr =	simm.s32 $0x1  }
0x2: {  	[smem:$0x3F9F] =	sst lr;
	_ =	strace $0xD0000000  }
0x3: {  	_ = 	snop  }
0x4: {  	_ = 	snop  }
0x5: {  	_ = 	snop  }
0x6: {  	_ = 	snop  }
0x7: {  	_ = 	snop  }
__scs_overlays_trampoline_lowered:
0x8: {  	[smem:$0x3FAE] =	sst s0  }
0x9: {  	[smem:$0x3FAF] =	sst s1  }
0xa: {  	[smem:$0x3FB0] =	sst s2  }
0xb: {  	[smem:$0x3FB1] =	sst s3  }
0xc: {  	[smem:$0x3FB2] =	sst s4  }
0xd: {  	[smem:$0x3FB3] =	sst s5  }
0xe: {  	[smem:$0x3FB4] =	sst s6  }
0xf: {  	[smem:$0x3FB5] =	sst s7  }
0x10: {  	[smem:$0x3FB6] =	sst s8  }
0x11: {  	[smem:$0x3FB7] =	sst s9;
	s0 =	simm.s32 @!p0 $0x0  }
0x12: {  	s1 =	sld [smem:$0x3F9D];
	s0 =	simm.s32 @p0 $0x1  }
0x13: {  	[smem:$0x3FB8] =	sst s0;
	s0 =	simm.s32 @!p1 $0x0  }
0x14: {  	s2 =	sld [smem:$0x3F9C];
	s0 =	simm.s32 @p1 $0x1  }
0x15: {  	[smem:$0x3FB9] =	sst s0;
	s0 =	simm.s32 @!p2 $0x0  }
0x16: {  	s3 =	sld [smem:$0x3FDB];
	s0 =	simm.s32 @p2 $0x1  }
0x17: {  	s4 =	simm.s32 $0x1BF5;
	[smem:$0x3FBB] =	sst s0  }
0x18: {  	s0 =	sld [smem:$0x3F9E];
	_ =	swait.ge [sflag:s4], $0x0  }
0x19: {  	s7 =	sld [smem:$0x3F9F]  }
0x1a: {  	s8 =	sadd.s32 $0xFFFFE003, lr  }
0x1b: {  	s9 =	sadd.s32 $0xFFFFFEF7, lr;
	s5 =	simm.s32 $0xFFFFFFFF;
	p2 =	slt.u32 s8, $0xFFFFF086  }
0x1c: {  	p1 =	slt.u32 s9, $0xF7A;
	s5 =	simm.s32 @!p2 $0x0  }
0x1d: {  	s5 =	simm.s32 @p1 $0x1;
	p0 =	seq.s32 s7, s2  }
0x1e: {  	s7 =	smul.u32 @!p0 $0xF7A, s2;
	p2 =	seq.s32 @!p0 s5, $0x0  }
0x1f: {  	s9 =	smul.u32 $0xF7A, s1;
	s8 =	simm.s32 @!p0 $0x1BF5;
	p2 =	por !p2, p0  }
0x20: {  	[sflag:s8] =	ssyncset.s32 @!p0 $0xFFFFF086;
	s6 =	sadd.s32 @!p0 s3, s7;
	s7 =	simm.s32 @!p0 $0x108  }
0x21: {  	s3 =	sadd.s32 s3, s9;
	s6 =	sadd.s32 @!p0 $0x88, s6;
	s7 =	simm.s32 @p2 $0x1082  }
0x22: {  	[simem:s7], [sflag:s8] =	dma.local @!p0 [hbm:s6], $0xF7A  }
0x23: {  	s9 =	sor.u32 $0xD0000000, s2;
	s6 =	simm.s32 $0x108;
	_ =	swait.ge @!p0 [sflag:s8], $0x0  }
0x24: {  	s3 =	sadd.s32 $0x88, s3;
	s6 =	simm.s32 @!p1 $0x1082;
	[sflag:s4] =	ssyncset.s32 $0xFFFFF086  }
0x25: {  	[simem:s6], [sflag:s4] =	dma.local [hbm:s3], $0xF7A  }
0x26: {  	[smem:$0x3F9F] =	sst s1;
	(tag) =	ssettag s2;
	_ =	strace s9  }
0x27: {  	s1 =	sld [smem:$0x3FAF]  }
0x28: {  	s2 =	sld [smem:$0x3FB0]  }
0x29: {  	s4 =	sld [smem:$0x3FB2]  }
0x2a: {  	p0 =	seq.s32 s5, $0x0;
	s5 =	sld [smem:$0x3FB3]  }
0x2b: {  	s6 =	sld [smem:$0x3FB4]  }
0x2c: {  	s7 =	sld [smem:$0x3FB5]  }
0x2d: {  	s3 =	simm.s32 $0x108;
	s8 =	sld [smem:$0x3FB6]  }
0x2e: {  	s3 =	simm.s32 @!p0 $0x1082;
	s9 =	sld [smem:$0x3FB7]  }
0x2f: {  	lr =	sadd.s32 s0, s3;
	s0 =	sld [smem:$0x3FAE]  }
0x30: {  	s3 =	sld [smem:$0x3FB1]  }
0x31: {  	[smem:$0x3FBA] =	sst s10  }
0x32: {  	s10 =	sld [smem:$0x3FB8];
	_ =	sdelay $0x3  }
0x33: {  	p0 =	seq.s32 s10, $0x1;
	s10 =	sld [smem:$0x3FBA];
	_ =	sdelay $0x3  }
0x34: {  	[smem:$0x3FBA] =	sst s10  }
0x35: {  	s10 =	sld [smem:$0x3FB9];
	_ =	sdelay $0x3  }
0x36: {  	p1 =	seq.s32 s10, $0x1;
	s10 =	sld [smem:$0x3FBA];
	_ =	sdelay $0x3  }
0x37: {  	[smem:$0x3FBA] =	sst s10  }
0x38: {  	s10 =	sld [smem:$0x3FBB]  }
0x39: {  	_ = 	snop;
	(pc) =	sbr.ind lr, $3  }
0x3a: {  	_ = 	snop  }
0x3b: {  	_ = 	snop  }
0x3c: {  	p2 =	seq.s32 s10, $0x1;
	s10 =	sld [smem:$0x3FBA]  }
0x3d: {  	_ =	shalt  }
0x3e: {  	_ =	shalt  }
0x3f: {  	_ =	shalt  }
0x40: {  	_ =	shalt  }
0x41: {  	_ =	shalt  }
0x42: {  	_ =	shalt  }
0x43: {  	_ =	shalt  }
0x44: {  	_ =	shalt  }
0x45: {  	_ =	shalt  }
0x46: {  	_ =	shalt  }
0x47: {  	_ =	shalt  }
0x48: {  	_ =	shalt  }
0x49: {  	_ =	shalt  }
0x4a: {  	_ =	shalt  }
0x4b: {  	_ =	shalt  }
0x4c: {  	_ =	shalt  }
0x4d: {  	_ =	shalt  }
0x4e: {  	_ =	shalt  }
0x4f: {  	_ =	shalt  }
0x50: {  	_ =	shalt  }
0x51: {  	_ =	shalt  }
0x52: {  	_ =	shalt  }
0x53: {  	_ =	shalt  }
0x54: {  	_ =	shalt  }
0x55: {  	_ =	shalt  }
0x56: {  	_ =	shalt  }
0x57: {  	_ =	shalt  }
0x58: {  	_ =	shalt  }
0x59: {  	_ =	shalt  }
0x5a: {  	_ =	shalt  }
0x5b: {  	_ =	shalt  }
0x5c: {  	_ =	shalt  }
0x5d: {  	_ =	shalt  }
0x5e: {  	_ =	shalt  }
0x5f: {  	_ =	shalt  }
0x60: {  	_ =	shalt  }
0x61: {  	_ =	shalt  }
0x62: {  	_ =	shalt  }
0x63: {  	_ =	shalt  }
0x64: {  	_ =	shalt  }
0x65: {  	_ =	shalt  }
0x66: {  	_ =	shalt  }
0x67: {  	_ =	shalt  }
0x68: {  	_ =	shalt  }
0x69: {  	_ =	shalt  }
0x6a: {  	_ =	shalt  }
0x6b: {  	_ =	shalt  }
0x6c: {  	_ =	shalt  }
0x6d: {  	_ =	shalt  }
0x6e: {  	_ =	shalt  }
0x6f: {  	_ =	shalt  }
0x70: {  	_ =	shalt  }
0x71: {  	_ =	shalt  }
0x72: {  	_ =	shalt  }
0x73: {  	_ =	shalt  }
0x74: {  	_ =	shalt  }
0x75: {  	_ =	shalt  }
0x76: {  	_ =	shalt  }
0x77: {  	_ =	shalt  }
0x78: {  	_ =	shalt  }
0x79: {  	_ =	shalt  }
0x7a: {  	_ =	shalt  }
0x7b: {  	_ =	shalt  }
0x7c: {  	_ =	shalt  }
0x7d: {  	_ =	shalt  }
0x7e: {  	_ =	shalt  }
0x7f: {  	_ =	shalt  }
0x80: {  	_ =	shalt  }
0x81: {  	_ =	shalt  }
0x82: {  	_ =	shalt  }
0x83: {  	_ =	shalt  }
0x84: {  	_ =	shalt  }
0x85: {  	_ =	shalt  }
0x86: {  	_ =	shalt  }
0x87: {  	_ =	shalt  }
.Lfunc_end0:
.L_simem_size_0:
called_computation.1_lowered:
.L_overlay_start_0:
0x88: {  	s2 =	sld [smem:$0x3FD9]  }
0x89: {  	s3 =	sld [smem:$0x3FFE];
	_ =	sdelay $0x1  }
0x8a: {  	s1 =	srdreg.scid  }
0x8b: {  	s0 =	sand.u32 $0x1, s1  }
0x8c: {  	s17 =	sshll.u32 s0, $0xA;
	s2 =	sadd.s32 s3, s2  }
0x8d: {  	s2 =	sadd.s32 s2, s17  }
0x8e: {  	[smem:$0x3FC6] =	sst s2  }
0x8f: {  	_ = 	snop  }
0x90: {  	s2 =	sld [smem:$0x3FD0];
	(tm) =	ssettm $0x1  }
0x91: {  	s18 =	sld [smem:$0x3FFB];
	_ =	sdelay $0x3  }
0x92: {  	_ =	strace s18  }
0x93: {  	s3 =	sld [smem:$0x3FFC];
	_ =	sdelay $0x3  }
0x94: {  	_ =	strace s3  }
0x95: {  	s3 =	sld [smem:$0x3FFD];
	_ =	sdelay $0x3  }
0x96: {  	_ =	strace s3  }
0x97: {  	_ =	strace $0x8FFFFFFF  }
0x98: {  	s19 =	sld [smem:$0x3FDB];
	_ =	sdelay $0x1  }
0x99: {  	s4 =	simm.s32 $_scs_section_size  }
0x9a: {  	s5 =	simm.s32 $_size__tile_overlayer_lowered;
	s6 =	simm.s32 $_tile_overlayer_lowered  }
0x9b: {  	s22 =	simm.s32 $0x1BFF;
	s21 =	sshll.u32 s6, $0x1;
	s3 =	sadd.s32 s4, s19  }
0x9c: {  	s7 =	simm.s32 $0x0;
	s20 =	sshll.u32 s5, $0x1;
	s5 =	sadd.s32 s21, s3  }
0x9d: {  	[timem:s7], [sflag:s22] =	dma.local [hbm:s5], s20  }
0x9e: {  	_ =	swait.ge [sflag:s22], s20  }
0x9f: {  	s4 =	ssub.s32 $0x0, s20;
	[sflag:s22] =	ssyncset.done $0x0  }
0xa0: {  	[sflag:s22] =	ssyncadd.s32 s4;
	_ =	sdelay $0x1  }
0xa1: {  	s23 =	simm.s32 $0x1B8B  }
0xa2: {  	_ =	swait.ge [sflag:s23], $0x1  }
0xa3: {  	[sflag:s23] =	ssyncset.done $0x0  }
0xa4: {  	s25 =	simm.s32 $0x1B8E;
	s24 =	sld [smem:$0x3FFE];
	[sflag:s23] =	ssyncadd.s32 $0xFFFFFFFF  }
0xa5: {  	s26 =	simm.s32 $execute0_lowered;
	[smem:$0x3FD2] =	sst s25  }
0xa6: {  	s5 =	sshll.u32 s26, $0x1;
	_ =	strace $0x80000046;
	[dreg:$0x1] =	wrdreg $0xFFFFFFFF  }
0xa7: {  	s28 =	simm.s32 $_size_execute0_lowered;
	s3 =	sadd.s32 s3, s5;
	[dreg:$0x0] =	wrdreg $0x0  }
0xa8: {  	s5 =	sshll.u32 s28, $0x1;
	[dreg:$0x2] =	wrdreg s3  }
0xa9: {  	[dreg:$0x3] =	wrdreg s5  }
0xaa: {  	[dreg:$0x4] =	wrdreg $0xC0  }
0xab: {  	_ =	task [dreg:s7], $0x5FFFF  }
0xac: {  	[dreg:$0x1] =	wrdreg $0xFFFFFFFF  }
0xad: {  	[dreg:$0x0] =	wrdreg $0x60  }
0xae: {  	[dreg:$0x2] =	wrdreg s24  }
0xaf: {  	[dreg:$0x3] =	wrdreg s2  }
0xb0: {  	[dreg:$0x4] =	wrdreg $0x9  }
0xb1: {  	_ =	task.clear_ibuf [dreg:s7], $0x5FFFF;
	_ =	strace $0x90000046  }
0xb2: {  	s29 =	simm.s32 $0x9;
	_ =	strace $0x80000048  }
0xb3: {  	_ =	swait.ge [sflag:s29], $0x1  }
0xb4: {  	[sflag:s29] =	ssyncadd.s32 $0xFFFFFFFF  }
0xb5: {  	_ =	strace $0x90000048  }
0xb6: {  	_ =	sfence  }
0xb7: {  	s30 =	sld [smem:$0x0];
	_ =	sdelay $0x2  }
0xb8: {  	s31 =	sshll.u32 s1, $0xD;
	s1 =	sshrl.u32 s1, $0x2  }
0xb9: {  	s3 =	sand.u32 $0x4000, s31;
	s1 =	sadd.s32 s1, s30  }
0xba: {  	s0 =	sor.u32 s3, s0;
	s1 =	sshll.u32 s1, $0x11  }
0xbb: {  	s0 =	sor.u32 s1, s0  }
0xbc: {  	s0 =	sadd.s32 $0x8F2B, s0  }
0xbd: {  	[sflag:s0] =	ssyncadd.remote.s32 $0x1  }
0xbe: {  	_ =	sfence.sel $0xFFFF  }
0xbf: {  	[dreg:$0x0] =	wrdreg $0xFFFFFFFF;
	(pc) =	sbr.abs _section_cstart, $3  }
0xc0: {  	[dreg:$0x1] =	wrdreg $0xFFFFFFFF  }
0xc1: {  	_ =	task.clear_ibuf [dreg:s7], $0x2FFFF;
	_ =	strace $0x9FFFFFFF  }
0xc2: {  	(tm) =	ssettm $0x7FFFFFFF  }
0xc3: {  	_ =	shalt  }
tec
execute0_lowered:
.L_overlay_start_1:
0x0: {  	(tag) =	ssettag $0x1  }
0x1: {  	s3 =	rddreg [dreg:$0x0]  }
0x2: {  	s1 =	srdreg.scid;
	s0 =	stileid.u32  }
0x3: {  	s8 =	rddreg [dreg:$0x1];
	s2 =	simm.s32 $0x0;
	s13 =	simm.s32 $0x6400  }
0x4: {  	s14 =	simm.s32 $0x9600;
	s15 =	simm.s32 $0x190;
	s16 =	simm.s32 $0xC800  }
0x5: {  	s17 =	simm.s32 $0x258;
	s18 =	simm.s32 $0xFA00;
	s19 =	simm.s32 $0x1  }
0x6: {  	s20 =	simm.s32 $0x5;
	s21 =	simm.s32 $0x2;
	s22 =	simm.s32 $0x6  }
0x7: {  	s23 =	simm.s32 $0x3;
	s24 =	simm.s32 $0x7;
	s25 =	simm.s32 $0x4  }
0x8: {  	s6 =	sand.u32 $0x1, s1;
	s4 =	sshll.u32 s0, $0x1;
	s11 =	smul.u32 $0x64000, s0  }
0x9: {  	s26 =	simm.s32 $0x8;
	s4 =	sor.u32 s6, s4;
	s12 =	smul.u32 $0x32000, s6  }
0xa: {  	s28 =	simm.s32 $0x0;
	[smem:$0x7FF] =	sst s2;
	s5 =	smul.u32 $0xC80, s4  }
0xb: {  	_ =	strace $0x80000047;
	s7 =	ssub.s32 $0x2, s6;
	s10 =	smul.u32 $0x190000, s4  }
0xc: {  	s9 =	sshrl.u32 s7, $0x1;
	s30 =	smul.u32 $0x32000, s4;
	s11 =	sadd.s32 s11, s8  }
0xd: {  	s9 =	ssub.s32 s7, s9;
	s31 =	sadd.s32 s12, s11;
	s11 =	simm.s32 $0x9  }
0xe: {  	s12 =	simm.s32 $0xC8;
	s5 =	sadd.s32 s5, s3;
	s10 =	sshrl.u32 s10, $0x3  }
0xf: {  	s3 =	sadd.s32 $0xF42E00, s3;
	s9 =	smax.u32 s9, $0x1;
	s10 =	sadd.s32 s8, s10  }
0x10: {  	s4 =	sadd.s32 $0xA00, s5;
	s5 =	sadd.s32 s8, s30;
	s6 =	sadd.s32 $0x30D40, s10  }
0x11: {  	s7 =	sadd.s32 $0x31380, s10;
	s8 =	sadd.s32 $0x319C0, s10;
	s10 =	sadd.s32 $0xC80, s31  }
.LBB2_1:
0x12: {  	[tilespmem:s2], [sflag:$0x9] =	stream.linear.gather [hbm4b:s4+s2], $0x6400, $0x38;
	[tilespmem:$0x12C00] =	vst v63  }
0x13: {  	_ =	swait.ge [sflag:s11], $0x6400  }
0x14: {  	[sflag:s11] =	ssyncset.done $0x0  }
0x15: {  	[sflag:s11] =	ssyncadd.s32 $0xFFFF9C00  }
0x16: {  	[tilespmem:s13], [sflag:$0x1] =	stream.indirect.gather [hbm4b:s3+s12], $0x40, s2, s12, $0xb8;
	[tilespmem:$0x12C00] =	vst v63  }
0x17: {  	_ = 	snop  }
0x18: {  	[tilespmem:s14], [sflag:$0x2] =	stream.indirect.gather [hbm4b:s3+s12], $0x40, s12, s12, $0xb8;
	[tilespmem:$0x12C00] =	vst v63  }
0x19: {  	_ = 	snop  }
0x1a: {  	[tilespmem:s16], [sflag:$0x3] =	stream.indirect.gather [hbm4b:s3+s12], $0x40, s15, s12, $0xb8;
	[tilespmem:$0x12C00] =	vst v63  }
0x1b: {  	_ = 	snop  }
0x1c: {  	[tilespmem:s18], [sflag:$0x4] =	stream.indirect.gather [hbm4b:s3+s12], $0x40, s17, s12, $0xb8;
	[tilespmem:$0x12C00] =	vst v63  }
0x1d: {  	_ =	swait.ge [sflag:s19], $0x3200  }
0x1e: {  	[sflag:s19] =	ssyncset.done $0x0  }
0x1f: {  	[sflag:s19] =	ssyncadd.s32 $0xFFFFCE00  }
0x20: {  	[hbm4b:s5+s2] =	stream.linear.scatter [tilespmem:s13], [sflag:$0x5], $0x3200, $0x38;
	[tilespmem:$0x12C00] =	vst v63  }
0x21: {  	_ =	swait.ge [sflag:s20], $0x3200  }
0x22: {  	[sflag:s20] =	ssyncset.done $0x0  }
0x23: {  	s29 =	simm.s32 $0x320;
	[sflag:s20] =	ssyncadd.s32 $0xFFFFCE00  }
0x24: {  	[tilespmem:s13], [sflag:$0x1] =	stream.indirect.gather [hbm4b:s3+s12], $0x40, s29, s12, $0xb8;
	[tilespmem:$0x12C00] =	vst v63  }
0x25: {  	_ =	swait.ge [sflag:s21], $0x3200  }
0x26: {  	[sflag:s21] =	ssyncset.done $0x0  }
0x27: {  	s29 =	sadd.s32 $0xFFFFF9C0, s10;
	[sflag:s21] =	ssyncadd.s32 $0xFFFFCE00  }
0x28: {  	[hbm4b:s29+s2] =	stream.linear.scatter [tilespmem:s14], [sflag:$0x6], $0x3200, $0x38;
	[tilespmem:$0x12C00] =	vst v63  }
0x29: {  	_ =	swait.ge [sflag:s22], $0x3200  }
0x2a: {  	[sflag:s22] =	ssyncset.done $0x0  }
0x2b: {  	s29 =	simm.s32 $0x3E8;
	[sflag:s22] =	ssyncadd.s32 $0xFFFFCE00  }
0x2c: {  	[tilespmem:s14], [sflag:$0x2] =	stream.indirect.gather [hbm4b:s3+s12], $0x40, s29, s12, $0xb8;
	[tilespmem:$0x12C00] =	vst v63  }
0x2d: {  	_ =	swait.ge [sflag:s23], $0x3200  }
0x2e: {  	[sflag:s23] =	ssyncset.done $0x0  }
0x2f: {  	[sflag:s23] =	ssyncadd.s32 $0xFFFFCE00  }
0x30: {  	[hbm4b:s10+s2] =	stream.linear.scatter [tilespmem:s16], [sflag:$0x7], $0x3200, $0x38;
	[tilespmem:$0x12C00] =	vst v63  }
0x31: {  	_ =	swait.ge [sflag:s24], $0x3200  }
0x32: {  	[sflag:s24] =	ssyncset.done $0x0  }
0x33: {  	s29 =	simm.s32 $0x4B0;
	[sflag:s24] =	ssyncadd.s32 $0xFFFFCE00  }
0x34: {  	[tilespmem:s16], [sflag:$0x3] =	stream.indirect.gather [hbm4b:s3+s12], $0x40, s29, s12, $0xb8;
	[tilespmem:$0x12C00] =	vst v63  }
0x35: {  	_ =	swait.ge [sflag:s25], $0x3200  }
0x36: {  	[sflag:s25] =	ssyncset.done $0x0  }
0x37: {  	s29 =	sadd.s32 $0x640, s10;
	[sflag:s25] =	ssyncadd.s32 $0xFFFFCE00  }
0x38: {  	[hbm4b:s29+s2] =	stream.linear.scatter [tilespmem:s18], [sflag:$0x8], $0x3200, $0x38;
	[tilespmem:$0x12C00] =	vst v63  }
0x39: {  	_ =	swait.ge [sflag:s26], $0x3200  }
0x3a: {  	[sflag:s26] =	ssyncset.done $0x0  }
0x3b: {  	s29 =	simm.s32 $0x578;
	[sflag:s26] =	ssyncadd.s32 $0xFFFFCE00  }
0x3c: {  	[tilespmem:s18], [sflag:$0x4] =	stream.indirect.gather [hbm4b:s3+s12], $0x40, s29, s12, $0xb8;
	[tilespmem:$0x12C00] =	vst v63  }
0x3d: {  	_ =	swait.ge [sflag:s19], $0x3200  }
0x3e: {  	s31 =	sadd.s32 $0xC80, s10;
	[sflag:s19] =	ssyncset.done $0x0  }
0x3f: {  	s30 =	sadd.s32 $0x1900, s10;
	s29 =	simm.s32 $0xC80;
	[sflag:s19] =	ssyncadd.s32 $0xFFFFCE00  }
.LBB2_2:
0x40: {  	[hbm4b:s31+s2] =	stream.linear.scatter [tilespmem:s13], [sflag:$0x5], $0x3200, $0x38;
	[tilespmem:$0x12C00] =	vst v63  }
0x41: {  	s31 =	smov.u32 s29  }
0x42: {  	p0 =	sne.s32 s29, $0x17700;
	s29 =	sadd.s32 $0xC80, s29;
	_ =	swait.ge [sflag:s20], $0x3200  }
0x43: {  	s31 =	sshra.s32 s31, $0x2;
	[sflag:s20] =	ssyncset.done $0x0  }
0x44: {  	s1 =	sadd.s32 $0x320, s31;
	[sflag:s20] =	ssyncadd.s32 $0xFFFFCE00  }
0x45: {  	[tilespmem:s13], [sflag:$0x1] =	stream.indirect.gather [hbm4b:s3+s12], $0x40, s1, s12, $0xb8;
	[tilespmem:$0x12C00] =	vst v63  }
0x46: {  	_ =	swait.ge [sflag:s21], $0x3200  }
0x47: {  	[sflag:s21] =	ssyncset.done $0x0  }
0x48: {  	s1 =	sadd.s32 $0xFFFFF9C0, s30;
	[sflag:s21] =	ssyncadd.s32 $0xFFFFCE00  }
0x49: {  	[hbm4b:s1+s2] =	stream.linear.scatter [tilespmem:s14], [sflag:$0x6], $0x3200, $0x38;
	[tilespmem:$0x12C00] =	vst v63  }
0x4a: {  	_ =	swait.ge [sflag:s22], $0x3200  }
0x4b: {  	[sflag:s22] =	ssyncset.done $0x0  }
0x4c: {  	s1 =	sadd.s32 $0x3E8, s31;
	[sflag:s22] =	ssyncadd.s32 $0xFFFFCE00  }
0x4d: {  	[tilespmem:s14], [sflag:$0x2] =	stream.indirect.gather [hbm4b:s3+s12], $0x40, s1, s12, $0xb8;
	[tilespmem:$0x12C00] =	vst v63  }
0x4e: {  	_ =	swait.ge [sflag:s23], $0x3200  }
0x4f: {  	[sflag:s23] =	ssyncset.done $0x0  }
0x50: {  	[sflag:s23] =	ssyncadd.s32 $0xFFFFCE00  }
0x51: {  	[hbm4b:s30+s2] =	stream.linear.scatter [tilespmem:s16], [sflag:$0x7], $0x3200, $0x38;
	[tilespmem:$0x12C00] =	vst v63  }
0x52: {  	_ =	swait.ge [sflag:s24], $0x3200  }
0x53: {  	[sflag:s24] =	ssyncset.done $0x0  }
0x54: {  	s1 =	sadd.s32 $0x4B0, s31;
	[sflag:s24] =	ssyncadd.s32 $0xFFFFCE00  }
0x55: {  	[tilespmem:s16], [sflag:$0x3] =	stream.indirect.gather [hbm4b:s3+s12], $0x40, s1, s12, $0xb8;
	[tilespmem:$0x12C00] =	vst v63  }
0x56: {  	_ =	swait.ge [sflag:s25], $0x3200  }
0x57: {  	[sflag:s25] =	ssyncset.done $0x0  }
0x58: {  	s1 =	sadd.s32 $0x640, s30;
	[sflag:s25] =	ssyncadd.s32 $0xFFFFCE00  }
0x59: {  	[hbm4b:s1+s2] =	stream.linear.scatter [tilespmem:s18], [sflag:$0x8], $0x3200, $0x38;
	[tilespmem:$0x12C00] =	vst v63  }
0x5a: {  	_ =	swait.ge [sflag:s26], $0x3200  }
0x5b: {  	[sflag:s26] =	ssyncset.done $0x0  }
.Ltmp0:
0x5c: {  	s1 =	sadd.s32 $0x578, s31;
	[sflag:s26] =	ssyncadd.s32 $0xFFFFCE00;
	(pc) =	sbr.rel @p0 .LBB2_2-.Ltmp0, $4  }
0x5d: {  	[tilespmem:s18], [sflag:$0x4] =	stream.indirect.gather [hbm4b:s3+s12], $0x40, s1, s12, $0xb8;
	[tilespmem:$0x12C00] =	vst v63  }
0x5e: {  	_ =	swait.ge [sflag:s19], $0x3200  }
0x5f: {  	[sflag:s19] =	ssyncset.done $0x0  }
0x60: {  	s31 =	sadd.s32 $0xC80, s30;
	s30 =	sadd.s32 $0x1900, s30;
	[sflag:s19] =	ssyncadd.s32 $0xFFFFCE00  }
0x61: {  	[hbm4b:s31+s2] =	stream.linear.scatter [tilespmem:s13], [sflag:$0x5], $0x3200, $0x38;
	[tilespmem:$0x12C00] =	vst v63  }
0x62: {  	_ =	swait.ge [sflag:s21], $0x3200  }
0x63: {  	[sflag:s21] =	ssyncset.done $0x0  }
0x64: {  	[sflag:s21] =	ssyncadd.s32 $0xFFFFCE00  }
0x65: {  	[hbm4b:s6+s2] =	stream.linear.scatter [tilespmem:s14], [sflag:$0x6], $0x3200, $0x38;
	[tilespmem:$0x12C00] =	vst v63  }
0x66: {  	_ =	swait.ge [sflag:s23], $0x3200  }
0x67: {  	[sflag:s23] =	ssyncset.done $0x0  }
0x68: {  	[sflag:s23] =	ssyncadd.s32 $0xFFFFCE00  }
0x69: {  	[hbm4b:s7+s2] =	stream.linear.scatter [tilespmem:s16], [sflag:$0x7], $0x3200, $0x38;
	[tilespmem:$0x12C00] =	vst v63  }
0x6a: {  	_ =	swait.ge [sflag:s25], $0x3200  }
0x6b: {  	[sflag:s25] =	ssyncset.done $0x0  }
0x6c: {  	[sflag:s25] =	ssyncadd.s32 $0xFFFFCE00  }
0x6d: {  	[hbm4b:s8+s2] =	stream.linear.scatter [tilespmem:s18], [sflag:$0x8], $0x3200, $0x38;
	[tilespmem:$0x12C00] =	vst v63  }
0x6e: {  	_ =	swait.ge [sflag:s20], $0x3200  }
0x6f: {  	[sflag:s20] =	ssyncset.done $0x0  }
0x70: {  	[sflag:s20] =	ssyncadd.s32 $0xFFFFCE00  }
0x71: {  	_ =	swait.ge [sflag:s22], $0x3200  }
0x72: {  	[sflag:s22] =	ssyncset.done $0x0  }
0x73: {  	s28 =	sadd.s32 $0x1, s28;
	[sflag:s22] =	ssyncadd.s32 $0xFFFFCE00  }
0x74: {  	p0 =	sne.s32 s28, s9;
	_ =	swait.ge [sflag:s24], $0x3200  }
.Ltmp1:
0x75: {  	[sflag:s24] =	ssyncset.done $0x0;
	(pc) =	sbr.rel @p0 .LBB2_1-.Ltmp1, $4  }
0x76: {  	[sflag:s24] =	ssyncadd.s32 $0xFFFFCE00  }
0x77: {  	_ =	swait.ge [sflag:s26], $0x3200  }
0x78: {  	[sflag:s26] =	ssyncset.done $0x0  }
0x79: {  	[sflag:s26] =	ssyncadd.s32 $0xFFFFCE00  }
0x7a: {  	_ =	sfence.sel $0x180000  }
0x7b: {  	[bflag:$0x0] =	sbarrier.arrive $0xFFFF  }
0x7c: {  	_ =	strace $0x90000047  }
0x7d: {  	[bflag:$0x2] =	sbarrier.arrive $0xFFFF  }
0x7e: {  	p0 =	sne.s32 s0, $0x0;
	s0 =	rddreg [dreg:$0x2]  }
0x7f: {  	s0 =	sadd.s32 @!p0 $0x100000, s0  }
0x80: {  	[sflag:s0] =	ssyncadd.tile.s32 @!p0 $0x1;
	_ =	shalt  }
.Lfunc_end2:
_tile_overlayer_lowered:
.L_overlay_start_2:
0x81: {  	(tag) =	ssettag $0x2  }
0x82: {  	s0 =	rddreg [dreg:$0x0];
	s2 =	stileid.u32  }
0x83: {  	s1 =	rddreg [dreg:$0x1];
	p0 =	sne.s32 s2, $0x0  }
0x84: {  	s3 =	rddreg [dreg:$0x2];
	[bflag:$0x3] =	sbarrier.arrive $0xFFFF;
	s2 =	simm.s32 @!p0 $0x1C09  }
0x85: {  	[timem:s3], [sflag:s2] =	dma.local @!p0 [hbm:s0], s1  }
0x86: {  	s0 =	simm.s32 @!p0 $0x9  }
0x87: {  	_ =	swait.ge @!p0 [sflag:s0], s1  }
0x88: {  	s1 =	ssub.s32 @!p0 $0x0, s1;
	[sflag:s0] =	ssyncset.done @!p0 $0x0  }
0x89: {  	[sflag:s0] =	ssyncadd.s32 @!p0 s1  }
0x8a: {  	[bflag:$0x3] =	sbarrier.arrive $0xFFFF  }
0x8b: {  	_ =	shalt  }

// kernel: sparse-core-data-format-call.cloned.1.call-start
scs
called_computation_lowered:
.L_overlay_start_0:
0x0: {  	s2 =	sld [smem:$0x3FD9]  }
0x1: {  	s3 =	sld [smem:$0x3FFE];
	_ =	sdelay $0x1  }
0x2: {  	s1 =	srdreg.scid  }
0x3: {  	s0 =	sand.u32 $0x1, s1  }
0x4: {  	s18 =	sshll.u32 s0, $0xA;
	s2 =	sadd.s32 s3, s2  }
0x5: {  	s2 =	sadd.s32 s2, s18  }
0x6: {  	[smem:$0x3FC6] =	sst s2  }
0x7: {  	_ = 	snop  }
0x8: {  	s2 =	sld [smem:$0x3FD0];
	(tm) =	ssettm $0x1  }
0x9: {  	s19 =	sld [smem:$0x3FFB];
	_ =	sdelay $0x3  }
0xa: {  	_ =	strace s19  }
0xb: {  	s3 =	sld [smem:$0x3FFC];
	_ =	sdelay $0x3  }
0xc: {  	_ =	strace s3  }
0xd: {  	s3 =	sld [smem:$0x3FFD];
	_ =	sdelay $0x3  }
0xe: {  	_ =	strace s3  }
0xf: {  	_ =	strace $0x8FFFFFFF  }
0x10: {  	s20 =	sld [smem:$0x3FDB];
	_ =	sdelay $0x1  }
0x11: {  	s4 =	simm.s32 $_scs_section_size  }
0x12: {  	s5 =	simm.s32 $_size__tile_overlayer_lowered;
	s6 =	simm.s32 $_tile_overlayer_lowered  }
0x13: {  	s23 =	simm.s32 $0x1BFF;
	s22 =	sshll.u32 s6, $0x1;
	s3 =	sadd.s32 s4, s20  }
0x14: {  	s7 =	simm.s32 $0x0;
	s21 =	sshll.u32 s5, $0x1;
	s5 =	sadd.s32 s22, s3  }
0x15: {  	[timem:s7], [sflag:s23] =	dma.local [hbm:s5], s21  }
0x16: {  	_ =	swait.ge [sflag:s23], s21  }
0x17: {  	s4 =	ssub.s32 $0x0, s21;
	[sflag:s23] =	ssyncset.done $0x0  }
0x18: {  	[sflag:s23] =	ssyncadd.s32 s4;
	_ =	sdelay $0x1  }
0x19: {  	s24 =	simm.s32 $0x1B8B  }
0x1a: {  	_ =	swait.ge [sflag:s24], $0x1  }
0x1b: {  	[sflag:s24] =	ssyncset.done $0x0  }
0x1c: {  	s26 =	simm.s32 $0x1B8E;
	s25 =	sld [smem:$0x3FFE];
	[sflag:s24] =	ssyncadd.s32 $0xFFFFFFFF  }
0x1d: {  	s27 =	simm.s32 $execute0_lowered;
	[smem:$0x3FD2] =	sst s26  }
0x1e: {  	s5 =	sshll.u32 s27, $0x1;
	_ =	strace $0x80000049;
	[dreg:$0x1] =	wrdreg $0xFFFFFFFF  }
0x1f: {  	s28 =	simm.s32 $_size_execute0_lowered;
	s3 =	sadd.s32 s3, s5;
	[dreg:$0x0] =	wrdreg $0x0  }
0x20: {  	s5 =	sshll.u32 s28, $0x1;
	[dreg:$0x2] =	wrdreg s3  }
0x21: {  	[dreg:$0x3] =	wrdreg s5  }
0x22: {  	[dreg:$0x4] =	wrdreg $0xC0  }
0x23: {  	_ =	task [dreg:s7], $0x5FFFF  }
0x24: {  	[dreg:$0x1] =	wrdreg $0xFFFFFFFF  }
0x25: {  	[dreg:$0x0] =	wrdreg $0x60  }
0x26: {  	[dreg:$0x2] =	wrdreg s25  }
0x27: {  	[dreg:$0x3] =	wrdreg s2  }
0x28: {  	[dreg:$0x4] =	wrdreg $0x9  }
0x29: {  	_ =	task.clear_ibuf [dreg:s7], $0x5FFFF;
	_ =	strace $0x90000049  }
0x2a: {  	s29 =	simm.s32 $0x9;
	_ =	strace $0x8000004B  }
0x2b: {  	_ =	swait.ge [sflag:s29], $0x1  }
0x2c: {  	[sflag:s29] =	ssyncadd.s32 $0xFFFFFFFF  }
0x2d: {  	_ =	strace $0x9000004B  }
0x2e: {  	_ =	sfence  }
0x2f: {  	s30 =	sld [smem:$0x0];
	_ =	sdelay $0x2  }
0x30: {  	s31 =	sshll.u32 s1, $0xD;
	s1 =	sshrl.u32 s1, $0x2  }
0x31: {  	s3 =	sand.u32 $0x4000, s31;
	s1 =	sadd.s32 s1, s30  }
0x32: {  	s0 =	sor.u32 s3, s0;
	s1 =	sshll.u32 s1, $0x11  }
0x33: {  	s0 =	sor.u32 s1, s0  }
0x34: {  	s0 =	sadd.s32 $0x8F2B, s0  }
0x35: {  	[sflag:s0] =	ssyncadd.remote.s32 $0x1  }
0x36: {  	_ =	sfence.sel $0xFFFF  }
0x37: {  	[dreg:$0x0] =	wrdreg $0xFFFFFFFF;
	(pc) =	sbr.abs _section_cstart, $3  }
0x38: {  	[dreg:$0x1] =	wrdreg $0xFFFFFFFF  }
0x39: {  	_ =	task.clear_ibuf [dreg:s7], $0x2FFFF;
	_ =	strace $0x9FFFFFFF  }
0x3a: {  	(tm) =	ssettm $0x7FFFFFFF  }
0x3b: {  	_ =	shalt  }
tec
execute0_lowered:
.L_overlay_start_1:
0x0: {  	(tag) =	ssettag $0x1  }
0x1: {  	s0 =	srdreg.scid  }
0x2: {  	s1 =	sshll.u32 s0, $0x4  }
0x3: {  	s0 =	stileid.u32;
	s1 =	sand.u32 $0x10, s1  }
0x4: {  	s1 =	sor.u32 s0, s1  }
0x5: {  	s6 =	rddreg [dreg:$0x0];
	s4 =	simm.s32 $0x1;
	s2 =	sshll.u32 s1, $0x7  }
0x6: {  	s7 =	simm.s32 $0x2;
	s12 =	simm.s32 $0x0;
	s1 =	ssub.s32 $0x1000, s2  }
0x7: {  	s8 =	simm.s32 $0x8000;
	s13 =	simm.s32 $0x0;
	s3 =	sand.u32 $0xF80, s1  }
0x8: {  	s9 =	simm.s32 $0x0;
	s5 =	sshrl.u32 s1, $0xC;
	p0 =	sne.s32 s3, $0x0  }
.Ltmp0:
0x9: {  	s1 =	rddreg [dreg:$0x2];
	s4 =	simm.s32 @!p0 $0x0;
	(pc) =	sbr.rel .LBB1_1-.Ltmp0, $4  }
0xa: {  	s11 =	simm.s32 $0x0;
	s3 =	rddreg [dreg:$0x1];
	s5 =	sadd.s32 s4, s5  }
0xb: {  	_ =	strace $0x8000004A;
	s4 =	simm.s32 $0x1;
	s5 =	smul.u32 $0xC8, s5  }
0xc: {  	s6 =	sadd.s32 $0xA00, s6;
	s10 =	smov.u32 s2;
	[sflag:s4] =	ssyncpa.u1 $0x0  }
0xd: {  	p0 =	por $0x0, $0x0;
	[sflag:s7] =	ssyncpa.u1 $0x0;
	s7 =	sor.u32 $0x1, s5  }
.LBB1_4:
0xe: {  	s16 =	sshll.u32 s13, $0x3;
	s17 =	sand.u32 $0x78, s13  }
0xf: {  	s30 =	sand.u32 $0x7E00, s13;
	s12 =	sshll.u32 s12, $0xF;
	s16 =	sand.u32 $0xC00, s16  }
0x10: {  	[tilespmem:s15+$0x810 ss:$0x81] =	vst.msk $0xffff, v2;
	s31 =	sand.u32 $0x7, s13;
	s16 =	sor.u32 s17, s16;
	s17 =	sadd.s32 s3, s30  }
0x11: {  	[tilespmem:s15+$0x1020 ss:$0x81] =	vst.msk $0xffff, v0;
	s13 =	sshll.u32 s31, $0x12;
	s12 =	sadd.s32 s12, s17;
	s16 =	sshrl.u32 s16, $0x3  }
0x12: {  	[tilespmem:s15+$0x0 ss:$0x81] =	vst.msk $0xffff, v1;
	s13 =	sor.u32 $0x400, s13;
	s12 =	sadd.s32 s16, s12  }
0x13: {  	[hbm4b:s12+s13] =	stream.strided.scatter [tilespmem:s14], [sflag:$0x2], $0x2000, s8, s13, $0x20;
	[tilespmem:$0x8080] =	vst v63  }
.LBB1_5:
0x14: {  	s14 =	sadd.s32 $0x1, s9  }
0x15: {  	s12 =	sadd.s32 $0x1000, s10;
	s16 =	smov.u32 s10;
	p2 =	sgt.s32 s14, $0xC7  }
0x16: {  	s16 =	smov.u32 @p2 s12  }
0x17: {  	s14 =	simm.s32 @p2 $0x0;
	p2 =	sgt.s32 s16, $0xFFF  }
0x18: {  	s16 =	smov.u32 @p2 s2;
	p2 =	sne.s32 s11, s7  }
.Ltmp1:
0x19: {  	p1 =	slt.u32 s11, $0x2;
	(pc) =	sbr.rel @!p2 .LBB1_6-.Ltmp1, $4  }
0x1a: {  	s15 =	simm.s32 @!p1 $0x2  }
0x1b: {  	s13 =	smov.u32 s10;
	p0 =	por !p0, !p0;
	_ =	swait.ge @!p1 [sflag:s15], $0x2000  }
0x1c: {  	s12 =	smov.u32 s9;
	[sflag:s15] =	ssyncset.done @!p1 $0x0;
	s9 =	smov.u32 s14  }
0x1d: {  	s11 =	sadd.s32 $0x1, s11;
	[sflag:s15] =	ssyncadd.s32 @!p1 $0xFFFFE000;
	s10 =	smov.u32 s16  }
.LBB1_1:
0x1e: {  	p1 =	sge.u32 s11, s5  }
0x1f: {  	s14 =	sand.u32 @!p1 $0x1FFFFFF, s9  }
0x20: {  	s15 =	smulhi.u32 @!p1 $0x147AE15, s14;
	_ =	sdelay $0x1  }
0x21: {  	s15 =	smul.u32 @!p1 $0xC8, s15  }
0x22: {  	s16 =	sxor.u32 @!p1 $0xFFFFFFFF, s11;
	s17 =	smul.u32 @!p1 $0xC80, s10  }
0x23: {  	s31 =	sadd.s32 $0xFFFFFFFF, s11;
	s16 =	sshll.u32 @!p1 s16, $0xD;
	s14 =	ssub.s32 @!p1 s14, s15  }
0x24: {  	s15 =	sand.u32 @!p1 $0x2000, s16;
	s16 =	sadd.s32 @!p1 s6, s17;
	s14 =	sshll.u32 @!p1 s14, $0x4  }
0x25: {  	s17 =	simm.s32 @!p1 $0x6400;
	s14 =	sadd.s32 @!p1 s14, s16;
	s16 =	simm.s32 @!p1 $0x40  }
0x26: {  	[tilespmem:s15], [sflag:$0x1] =	stream.strided.gather @!p1 [hbm4b:s14+s16], $0x2000, s17, s16, $0x38;
	[tilespmem:$0x8080] =	vst v63  }
0x27: {  	p1 =	sge.u32 s31, s5  }
.Ltmp2:
0x28: {  	_ = 	snop;
	(pc) =	sbr.rel @p1 .LBB1_5-.Ltmp2, $1  }
0x29: {  	_ =	sdelay $0x3  }
0x2a: {  	s14 =	simm.s32 $0x1  }
0x2b: {  	_ =	swait.ge [sflag:s4], $0x2000;
	s14 =	simm.s32 @!p0 $0x0  }
0x2c: {  	[sflag:s4] =	ssyncset.done $0x0;
	s15 =	sshll.u32 s14, $0xD  }
0x2d: {  	[sflag:s4] =	ssyncadd.s32 $0xFFFFE000;
	s18 =	sor.u32 $0x20, s15  }
0x2e: {  	s14 =	smul.u32 $0x8100, s14;
	v3 =	vld [tilespmem:s18+$0x10]  }
0x2f: {  	s30 =	sand.u32 $0x1, s11;
	v2 =	vld [tilespmem:s18+$0xFFFFFFF0]  }
0x30: {  	s15 =	smul.u32 $0x8100, s30;
	s14 =	sshrl.u32 s14, $0x2;
	v0 =	vld [tilespmem:s18+$0x0]  }
0x31: {  	v1 =	vld [tilespmem:s18+$0xFFFFFFE0];
	s16 =	sor.u32 $0x4000, s14  }
0x32: {  	s31 =	sshrl.u32 s15, $0x2;
	s15 =	sadd.s32 $0x0, s16  }
0x33: {  	s17 =	simm.s32 $0x4;
	s18 =	sadd.s32 $0x40, s18;
	s14 =	sor.u32 $0x4000, s31;
	[tilespmem:s15+$0x1830 ss:$0x81] =	vst.msk $0xffff, v3  }
.LBB1_3:
0x34: {  	v3 =	vld [tilespmem:s18+$0x10];
	p1 =	sne.s32 s17, $0x1FC;
	[tilespmem:s15+$0x810 ss:$0x81] =	vst.msk $0xffff, v2;
	s19 =	smov.u32 s17;
	s17 =	sadd.s32 $0x4, s17  }
.Ltmp3:
0x35: {  	v2 =	vld [tilespmem:s18+$0xFFFFFFF0];
	[tilespmem:s15+$0x1020 ss:$0x81] =	vst.msk $0xffff, v0;
	(pc) =	sbr.rel @p1 .LBB1_3-.Ltmp3, $4  }
0x36: {  	v0 =	vld [tilespmem:s18+$0x0];
	[tilespmem:s15+$0x0 ss:$0x81] =	vst.msk $0xffff, v1  }
0x37: {  	s15 =	sshra.s32 s19, $0x2;
	v1 =	vld [tilespmem:s18+$0xFFFFFFE0]  }
0x38: {  	s15 =	sadd.s32 s15, s16  }
0x39: {  	s18 =	sadd.s32 $0x40, s18;
	[tilespmem:s15+$0x1830 ss:$0x81] =	vst.msk $0xffff, v3  }
.Ltmp4:
0x3a: {  	_ = 	snop;
	(pc) =	sbr.rel .LBB1_4-.Ltmp4, $1  }
0x3b: {  	_ =	sdelay $0x3  }
.LBB1_6:
0x3c: {  	_ =	sfence.sel $0x180000  }
0x3d: {  	s2 =	simm.s32 $0x1;
	[bflag:$0x0] =	sbarrier.arrive $0xFFFF  }
0x3e: {  	s31 =	simm.s32 $0x2;
	[sflag:s2] =	ssyncpa.u1 $0x1  }
0x3f: {  	[sflag:s31] =	ssyncpa.u1 $0x1  }
0x40: {  	p0 =	sne.s32 s0, $0x0;
	_ =	strace $0x9000004A  }
0x41: {  	s0 =	sadd.s32 @!p0 $0x100000, s1;
	[bflag:$0x2] =	sbarrier.arrive $0xFFFF  }
0x42: {  	[sflag:s0] =	ssyncadd.tile.s32 @!p0 $0x1;
	_ =	shalt  }
.Lfunc_end1:
_tile_overlayer_lowered:
.L_overlay_start_2:
0x43: {  	(tag) =	ssettag $0x2  }
0x44: {  	s0 =	rddreg [dreg:$0x0];
	s2 =	stileid.u32  }
0x45: {  	s1 =	rddreg [dreg:$0x1];
	p0 =	sne.s32 s2, $0x0  }
0x46: {  	s3 =	rddreg [dreg:$0x2];
	[bflag:$0x3] =	sbarrier.arrive $0xFFFF;
	s2 =	simm.s32 @!p0 $0x1C01  }
0x47: {  	[timem:s3], [sflag:s2] =	dma.local @!p0 [hbm:s0], s1  }
0x48: {  	s0 =	simm.s32 @!p0 $0x1  }
0x49: {  	_ =	swait.ge @!p0 [sflag:s0], s1  }
0x4a: {  	s1 =	ssub.s32 @!p0 $0x0, s1;
	[sflag:s0] =	ssyncset.done @!p0 $0x0  }
0x4b: {  	[sflag:s0] =	ssyncadd.s32 @!p0 s1  }
0x4c: {  	[bflag:$0x3] =	sbarrier.arrive $0xFFFF  }
0x4d: {  	_ =	shalt  }

</sc_bundles>
